<compile_context>
chip_gen: v7x
topology: tpu7x:2x2x1
jax: 0.10.2.dev20260603
libtpu: 0.0.44.dev20260713+nightly
codegen_flags: <defaults>
</compile_context>

<pallas_src>
import functools

import jax
import jax.numpy as jnp
from jax import lax
from jax.experimental import pallas as pl
from jax.experimental.pallas import tpu as pltpu
from jax.experimental.pallas import tpu_sc as plsc

_COMMITMENT_COST = 0.25
_CHUNK = 2048


def _argmin_body(xb_ref, ebT_ref, x2_ref, e2_ref, idx_ref, loss_ref, *,
                 num_codes, bf16_acc):
    i = pl.program_id(0)
    xb = xb_ref[...]
    ebT = ebT_ref[...]
    mm = jnp.dot(xb, ebT, preferred_element_type=jnp.float32)
    dist = (x2_ref[...] + e2_ref[...]) - 2.0 * mm

    if not bf16_acc:
        acc_val = jnp.min(dist, axis=1)
        iota = lax.broadcasted_iota(jnp.int32, dist.shape, 1)
        acc_idx = jnp.min(
            jnp.where(dist == acc_val[:, None], iota, num_codes), axis=1)
    else:
        nchunks = num_codes // _CHUNK
        acc = None
        for c in range(nchunks):
            dc = dist[:, c * _CHUNK:(c + 1) * _CHUNK]
            vc = jnp.min(dc, axis=1)
            iota = lax.broadcasted_iota(jnp.int32, dc.shape, 1) + c * _CHUNK
            ic = jnp.min(jnp.where(dc == vc[:, None], iota, num_codes), axis=1)
            if acc is None:
                acc_idx, acc_val, acc_bf = ic, vc, vc.astype(jnp.bfloat16)
                acc = True
            else:
                upd = vc < acc_bf.astype(jnp.float32)
                acc_idx = jnp.where(upd, ic, acc_idx)
                acc_val = jnp.where(upd, vc, acc_val)
                acc_bf = jnp.where(upd, vc.astype(jnp.bfloat16), acc_bf)
    idx_ref[0, 0, :] = acc_idx

    @pl.when(i == 0)
    def _():
        loss_ref[0, 0] = 0.0

    loss_ref[0, 0] += jnp.sum(acc_val)


def _argmin_level(xb, ebT, x2, e2, nt, bf16_acc):
    n, d = xb.shape
    k = ebT.shape[1]
    nb = n // nt
    idx3, loss = pl.pallas_call(
        functools.partial(_argmin_body, num_codes=k, bf16_acc=bf16_acc),
        grid=(nb,),
        in_specs=[
            pl.BlockSpec((nt, d), lambda i: (i, 0)),
            pl.BlockSpec((d, k), lambda i: (0, 0)),
            pl.BlockSpec((nt, 1), lambda i: (i, 0)),
            pl.BlockSpec((1, k), lambda i: (0, 0)),
        ],
        out_specs=[
            pl.BlockSpec((1, 1, nt), lambda i: (i, 0, 0)),
            pl.BlockSpec((1, 1), lambda i: (0, 0), memory_space=pltpu.SMEM),
        ],
        out_shape=[
            jax.ShapeDtypeStruct((nb, 1, nt), jnp.int32),
            jax.ShapeDtypeStruct((1, 1), jnp.float32),
        ],
    )(xb, ebT, x2, e2)
    return idx3.reshape(n), loss[0, 0]


def _sc_gather(emb, idx):
    n = idx.shape[0]
    d = emb.shape[1]
    info = plsc.get_sparse_core_info()
    nc = info.num_cores
    nw = nc * info.num_subcores
    b_per_w = n // nw
    chunk = min(128, b_per_w)
    n_chunks = b_per_w // chunk
    mesh = plsc.VectorSubcoreMesh(core_axis_name="c", subcore_axis_name="s")

    @functools.partial(
        pl.kernel,
        mesh=mesh,
        out_type=jax.ShapeDtypeStruct((n, d), jnp.float32),
        compiler_params=pltpu.CompilerParams(use_tc_tiling_on_sc=False),
        scratch_types=[
            pltpu.VMEM((n_chunks, chunk), jnp.int32),
            pltpu.VMEM((b_per_w, d), jnp.float32),
            pltpu.SemaphoreType.DMA,
        ],
    )
    def gather_k(table_hbm, idx_hbm, out_hbm, idx_v, rows_v, sem):
        wid = lax.axis_index("s") * nc + lax.axis_index("c")
        base = wid * b_per_w
        for c in range(n_chunks):
            pltpu.sync_copy(idx_hbm.at[pl.ds(base + c * chunk, chunk)],
                            idx_v.at[c])
            pltpu.async_copy(table_hbm.at[idx_v.at[c]],
                             rows_v.at[pl.ds(c * chunk, chunk)], sem).wait()
        pltpu.sync_copy(rows_v, out_hbm.at[pl.ds(base, b_per_w)])

    return gather_k(emb, idx)


def _vq_level_setup(x, emb):
    c = x.shape[1]
    flat = jnp.transpose(x, (0, 2, 3, 1)).reshape(-1, c)
    x2 = jnp.sum(flat ** 2, axis=1, keepdims=True)
    e2 = jnp.sum(emb ** 2, axis=1)[None, :]
    return flat.astype(jnp.bfloat16), emb.T.astype(jnp.bfloat16), x2, e2


def kernel(inputs_0, inputs_1, emb0, emb1):
    b0, c0, h0, w0 = inputs_0.shape
    b1, c1, h1, w1 = inputs_1.shape

    idx0, lsum0 = _argmin_level(*_vq_level_setup(inputs_0, emb0), 1024, True)
    idx1, lsum1 = _argmin_level(*_vq_level_setup(inputs_1, emb1), 1024, False)

    q0 = _sc_gather(emb0, idx0).reshape(b0, h0, w0, c0).transpose(0, 3, 1, 2)
    q1 = _sc_gather(emb1, idx1).reshape(b1, h1, w1, c1).transpose(0, 3, 1, 2)

    n0 = b0 * h0 * w0
    n1 = b1 * h1 * w1
    total_loss = _COMMITMENT_COST * (lsum0 / (n0 * c0) + lsum1 / (n1 * c1))
    return total_loss, q0, q1

# --- scband reference (transcript-rebuilt; emitter-appended) ---
"""Pipeline reference for scband-multi-codebook-25323127177631 (READ-ONLY COPY).

The authoritative reference and input builder live on the scoring server;
editing this copy changes nothing except your own understanding.
"""

import jax, jax.numpy as jnp
import numpy as np

NUM_EMBEDDINGS = 8192
EMBEDDING_DIMS = [32, 64]
COMMITMENT_COST = 0.25


def setup_inputs(seed: int = 0) -> dict:
    key = jax.random.key(seed)
    k0, k1, k2, k3 = jax.random.split(key, 4)
    inputs_0 = jax.random.normal(k0, (8, 32, 32, 32), dtype=jnp.float32)
    inputs_1 = jax.random.normal(k1, (8, 64, 16, 16), dtype=jnp.float32)
    emb0 = jax.random.normal(k2, (NUM_EMBEDDINGS, EMBEDDING_DIMS[0]), dtype=jnp.float32)
    emb1 = jax.random.normal(k3, (NUM_EMBEDDINGS, EMBEDDING_DIMS[1]), dtype=jnp.float32)
    return {"inputs_0": inputs_0, "inputs_1": inputs_1, "emb0": emb0, "emb1": emb1}


def _vq_level(x, emb, commitment_cost):
    # x: [B, C, H, W] -> permute to [B, H, W, C]
    xp = jnp.transpose(x, (0, 2, 3, 1))
    input_shape = xp.shape
    d = emb.shape[1]
    flat = xp.reshape(-1, d)
    # squared L2 distances to every code
    distances = (jnp.sum(flat ** 2, axis=1, keepdims=True)
                 + jnp.sum(emb ** 2, axis=1)
                 - 2.0 * jnp.matmul(flat, emb.T))
    encoding_indices = jnp.argmin(distances, axis=1)
    # one-hot @ embedding == gather of embedding rows
    quantized = jnp.take(emb, encoding_indices, axis=0).reshape(input_shape)
    e_latent_loss = jnp.mean((jax.lax.stop_gradient(quantized) - xp) ** 2)
    loss = commitment_cost * e_latent_loss
    quantized_st = xp + jax.lax.stop_gradient(quantized - xp)
    return loss, jnp.transpose(quantized_st, (0, 3, 1, 2))


def reference(inputs_0, inputs_1, emb0, emb1):
    loss0, q0 = _vq_level(inputs_0, emb0, COMMITMENT_COST)
    loss1, q1 = _vq_level(inputs_1, emb1, COMMITMENT_COST)
    total_loss = loss0 + loss1
    return (total_loss, q0, q1)

if __name__ == "__main__":
    import jax
    _d = setup_inputs()
    print(jax.jit(kernel)(*tuple(_d.values())))

</pallas_src>

<mosaic_0001>
#map = affine_map<(d0, d1) -> (0, 0)>
#map1 = affine_map<(d0, d1) -> (0)>
module attributes {stable_mosaic.version = 14 : i64} {
  func.func @gather_k(%arg0: i32, %arg1: i32, %arg2: memref<8192x64xf32, #tpu.memory_space<hbm>>, %arg3: memref<2048xi32, #tpu.memory_space<hbm>>, %arg4: memref<2048x64xf32, #tpu.memory_space<hbm>>, %arg5: memref<1x64xi32, #tpu.memory_space<vmem>>, %arg6: memref<64x64xf32, #tpu.memory_space<vmem>>, %arg7: memref<!tpu.dma_semaphore, #tpu.memory_space<semaphore_mem>>) attributes {dimension_semantics = [#tpu.dimension_semantics<core_parallel>, #tpu.dimension_semantics<subcore_parallel>], iteration_bounds = array<i64: 2, 16>, scalar_prefetch = 0 : i64, scratch_operands = 3 : i64, tpu.core_type = #tpu.core_type<sc_vector_subcore>, window_params = [{transform_indices = #map}, {transform_indices = #map1}, {transform_indices = #map}]} {
    %mul3A = arith.constant 2 : i32
    %mul3A_0 = arith.muli %arg1, %mul3A : i32
    %add3A = arith.addi %mul3A_0, %arg0 : i32
    %mul3A_1 = arith.constant 64 : i32
    %mul3A_2 = arith.muli %add3A, %mul3A_1 : i32
    %add3A_3 = arith.constant 0 : i32
    %add3A_4 = arith.addi %mul3A_2, %add3A_3 : i32
    %run_scoped3A = arith.constant 0 : i32
    "tpu.region"() ({
      %run_scoped3A_23 = tpu.sem_alloc : memref<!tpu.dma_semaphore, #tpu.memory_space<semaphore_mem>>
      %dma_start3A_24 = arith.constant 0 : i32
      %dma_start3A_25 = tpu.memref_slice %arg5[%run_scoped3A, %dma_start3A_24] : memref<1x64xi32, #tpu.memory_space<vmem>> -> memref<1x64xi32, #tpu.memory_space<vmem>>
      %dma_start3A_26 = tpu.memref_squeeze %dma_start3A_25 : memref<1x64xi32, #tpu.memory_space<vmem>> -> memref<64xi32, #tpu.memory_space<vmem>>
      %dma_start3A_27 = tpu.memref_slice %arg3[%add3A_4] : memref<2048xi32, #tpu.memory_space<hbm>> -> memref<64xi32, #tpu.memory_space<hbm>>
      %dma_start3A_28 = arith.constant 0 : i32
      %dma_start3A_29 = tpu.memref_slice %arg5[%run_scoped3A, %dma_start3A_28] : memref<1x64xi32, #tpu.memory_space<vmem>> -> memref<1x64xi32, #tpu.memory_space<vmem>>
      %dma_start3A_30 = tpu.memref_squeeze %dma_start3A_29 : memref<1x64xi32, #tpu.memory_space<vmem>> -> memref<64xi32, #tpu.memory_space<vmem>>
      %dma_start3A_31 = tpu.memref_slice %arg3[%add3A_4] : memref<2048xi32, #tpu.memory_space<hbm>> -> memref<64xi32, #tpu.memory_space<hbm>>
      tpu.enqueue_dma source(%dma_start3A_31 : memref<64xi32, #tpu.memory_space<hbm>>) target(%dma_start3A_30 : memref<64xi32, #tpu.memory_space<vmem>>) target_semaphore(%run_scoped3A_23 : memref<!tpu.dma_semaphore, #tpu.memory_space<semaphore_mem>>)
      %dma_wait3A_32 = arith.constant 0 : i32
      %dma_wait3A_33 = tpu.memref_slice %arg5[%run_scoped3A, %dma_wait3A_32] : memref<1x64xi32, #tpu.memory_space<vmem>> -> memref<1x64xi32, #tpu.memory_space<vmem>>
      %dma_wait3A_34 = tpu.memref_squeeze %dma_wait3A_33 : memref<1x64xi32, #tpu.memory_space<vmem>> -> memref<64xi32, #tpu.memory_space<vmem>>
      %dma_wait3A_35 = tpu.memref_slice %arg3[%add3A_4] : memref<2048xi32, #tpu.memory_space<hbm>> -> memref<64xi32, #tpu.memory_space<hbm>>
      %dma_wait3A_36 = arith.constant 0 : i32
      %dma_wait3A_37 = tpu.memref_slice %arg5[%run_scoped3A, %dma_wait3A_36] : memref<1x64xi32, #tpu.memory_space<vmem>> -> memref<1x64xi32, #tpu.memory_space<vmem>>
      %dma_wait3A_38 = tpu.memref_squeeze %dma_wait3A_37 : memref<1x64xi32, #tpu.memory_space<vmem>> -> memref<64xi32, #tpu.memory_space<vmem>>
      %dma_wait3A_39 = tpu.memref_slice %arg3[%add3A_4] : memref<2048xi32, #tpu.memory_space<hbm>> -> memref<64xi32, #tpu.memory_space<hbm>>
      tpu.wait_dma2 semaphore(%run_scoped3A_23 : memref<!tpu.dma_semaphore, #tpu.memory_space<semaphore_mem>>) src(%dma_wait3A_39 : memref<64xi32, #tpu.memory_space<hbm>>) dst(%dma_wait3A_38 : memref<64xi32, #tpu.memory_space<vmem>>)
      tpu.yield
    }) : () -> ()
    %dma_start3A = arith.constant 0 : i32
    %dma_start3A_5 = arith.constant 0 : i32
    %dma_start3A_6 = arith.constant 0 : i32
    %dma_start3A_7 = tpu.memref_slice %arg6[%dma_start3A_5, %dma_start3A_6] : memref<64x64xf32, #tpu.memory_space<vmem>> -> memref<64x64xf32, #tpu.memory_space<vmem>>
    %dma_start3A_8 = arith.constant 0 : i32
    %dma_start3A_9 = tpu.memref_slice %arg5[%dma_start3A, %dma_start3A_8] : memref<1x64xi32, #tpu.memory_space<vmem>> -> memref<1x64xi32, #tpu.memory_space<vmem>>
    %dma_start3A_10 = tpu.memref_squeeze %dma_start3A_9 : memref<1x64xi32, #tpu.memory_space<vmem>> -> memref<64xi32, #tpu.memory_space<vmem>>
    %dma_start3A_11 = arith.constant 0 : i32
    %dma_start3A_12 = arith.constant 0 : i32
    %dma_start3A_13 = tpu.memref_slice %arg2[%dma_start3A_11, %dma_start3A_12] : memref<8192x64xf32, #tpu.memory_space<hbm>> -> memref<8192x64xf32, #tpu.memory_space<hbm>>
    tpu.enqueue_indirect_dma source(%dma_start3A_13 : memref<8192x64xf32, #tpu.memory_space<hbm>>) target(%dma_start3A_7 : memref<64x64xf32, #tpu.memory_space<vmem>>) offsets(%dma_start3A_10 : memref<64xi32, #tpu.memory_space<vmem>>) semaphore(%arg7 : memref<!tpu.dma_semaphore, #tpu.memory_space<semaphore_mem>>)
    %dma_wait3A = arith.constant 0 : i32
    %dma_wait3A_14 = arith.constant 0 : i32
    %dma_wait3A_15 = arith.constant 0 : i32
    %dma_wait3A_16 = tpu.memref_slice %arg6[%dma_wait3A_14, %dma_wait3A_15] : memref<64x64xf32, #tpu.memory_space<vmem>> -> memref<64x64xf32, #tpu.memory_space<vmem>>
    %dma_wait3A_17 = arith.constant 0 : i32
    %dma_wait3A_18 = tpu.memref_slice %arg5[%dma_wait3A, %dma_wait3A_17] : memref<1x64xi32, #tpu.memory_space<vmem>> -> memref<1x64xi32, #tpu.memory_space<vmem>>
    %dma_wait3A_19 = tpu.memref_squeeze %dma_wait3A_18 : memref<1x64xi32, #tpu.memory_space<vmem>> -> memref<64xi32, #tpu.memory_space<vmem>>
    %dma_wait3A_20 = arith.constant 0 : i32
    %dma_wait3A_21 = arith.constant 0 : i32
    %dma_wait3A_22 = tpu.memref_slice %arg2[%dma_wait3A_20, %dma_wait3A_21] : memref<8192x64xf32, #tpu.memory_space<hbm>> -> memref<8192x64xf32, #tpu.memory_space<hbm>>
    tpu.wait_indirect_dma semaphore(%arg7 : memref<!tpu.dma_semaphore, #tpu.memory_space<semaphore_mem>>) src(%dma_wait3A_22 : memref<8192x64xf32, #tpu.memory_space<hbm>>) dst(%dma_wait3A_16 : memref<64x64xf32, #tpu.memory_space<vmem>>)
    "tpu.region"() ({
      %run_scoped3A_23 = tpu.sem_alloc : memref<!tpu.dma_semaphore, #tpu.memory_space<semaphore_mem>>
      %dma_start3A_24 = arith.constant 0 : i32
      %dma_start3A_25 = tpu.memref_slice %arg4[%mul3A_2, %dma_start3A_24] : memref<2048x64xf32, #tpu.memory_space<hbm>> -> memref<64x64xf32, #tpu.memory_space<hbm>>
      %dma_start3A_26 = arith.constant 0 : i32
      %dma_start3A_27 = tpu.memref_slice %arg4[%mul3A_2, %dma_start3A_26] : memref<2048x64xf32, #tpu.memory_space<hbm>> -> memref<64x64xf32, #tpu.memory_space<hbm>>
      tpu.enqueue_dma source(%arg6 : memref<64x64xf32, #tpu.memory_space<vmem>>) target(%dma_start3A_27 : memref<64x64xf32, #tpu.memory_space<hbm>>) target_semaphore(%run_scoped3A_23 : memref<!tpu.dma_semaphore, #tpu.memory_space<semaphore_mem>>)
      %dma_wait3A_28 = arith.constant 0 : i32
      %dma_wait3A_29 = tpu.memref_slice %arg4[%mul3A_2, %dma_wait3A_28] : memref<2048x64xf32, #tpu.memory_space<hbm>> -> memref<64x64xf32, #tpu.memory_space<hbm>>
      %dma_wait3A_30 = arith.constant 0 : i32
      %dma_wait3A_31 = tpu.memref_slice %arg4[%mul3A_2, %dma_wait3A_30] : memref<2048x64xf32, #tpu.memory_space<hbm>> -> memref<64x64xf32, #tpu.memory_space<hbm>>
      tpu.wait_dma2 semaphore(%run_scoped3A_23 : memref<!tpu.dma_semaphore, #tpu.memory_space<semaphore_mem>>) src(%arg6 : memref<64x64xf32, #tpu.memory_space<vmem>>) dst(%dma_wait3A_31 : memref<64x64xf32, #tpu.memory_space<hbm>>)
      tpu.yield
    }) : () -> ()
    return
  }
}

#map = affine_map<(d0, d1) -> (0, 0)>
#map1 = affine_map<(d0, d1) -> (0)>
module attributes {stable_mosaic.version = 14 : i64} {
  func.func @gather_k(%arg0: i32, %arg1: i32, %arg2: memref<8192x32xf32, #tpu.memory_space<hbm>>, %arg3: memref<8192xi32, #tpu.memory_space<hbm>>, %arg4: memref<8192x32xf32, #tpu.memory_space<hbm>>, %arg5: memref<2x128xi32, #tpu.memory_space<vmem>>, %arg6: memref<256x32xf32, #tpu.memory_space<vmem>>, %arg7: memref<!tpu.dma_semaphore, #tpu.memory_space<semaphore_mem>>) attributes {dimension_semantics = [#tpu.dimension_semantics<core_parallel>, #tpu.dimension_semantics<subcore_parallel>], iteration_bounds = array<i64: 2, 16>, scalar_prefetch = 0 : i64, scratch_operands = 3 : i64, tpu.core_type = #tpu.core_type<sc_vector_subcore>, window_params = [{transform_indices = #map}, {transform_indices = #map1}, {transform_indices = #map}]} {
    %mul3A = arith.constant 2 : i32
    %mul3A_0 = arith.muli %arg1, %mul3A : i32
    %add3A = arith.addi %mul3A_0, %arg0 : i32
    %mul3A_1 = arith.constant 256 : i32
    %mul3A_2 = arith.muli %add3A, %mul3A_1 : i32
    %add3A_3 = arith.constant 0 : i32
    %add3A_4 = arith.addi %mul3A_2, %add3A_3 : i32
    %run_scoped3A = arith.constant 0 : i32
    "tpu.region"() ({
      %run_scoped3A_46 = tpu.sem_alloc : memref<!tpu.dma_semaphore, #tpu.memory_space<semaphore_mem>>
      %dma_start3A_47 = arith.constant 0 : i32
      %dma_start3A_48 = tpu.memref_slice %arg5[%run_scoped3A, %dma_start3A_47] : memref<2x128xi32, #tpu.memory_space<vmem>> -> memref<1x128xi32, #tpu.memory_space<vmem>>
      %dma_start3A_49 = tpu.memref_squeeze %dma_start3A_48 : memref<1x128xi32, #tpu.memory_space<vmem>> -> memref<128xi32, #tpu.memory_space<vmem>>
      %dma_start3A_50 = tpu.memref_slice %arg3[%add3A_4] : memref<8192xi32, #tpu.memory_space<hbm>> -> memref<128xi32, #tpu.memory_space<hbm>>
      %dma_start3A_51 = arith.constant 0 : i32
      %dma_start3A_52 = tpu.memref_slice %arg5[%run_scoped3A, %dma_start3A_51] : memref<2x128xi32, #tpu.memory_space<vmem>> -> memref<1x128xi32, #tpu.memory_space<vmem>>
      %dma_start3A_53 = tpu.memref_squeeze %dma_start3A_52 : memref<1x128xi32, #tpu.memory_space<vmem>> -> memref<128xi32, #tpu.memory_space<vmem>>
      %dma_start3A_54 = tpu.memref_slice %arg3[%add3A_4] : memref<8192xi32, #tpu.memory_space<hbm>> -> memref<128xi32, #tpu.memory_space<hbm>>
      tpu.enqueue_dma source(%dma_start3A_54 : memref<128xi32, #tpu.memory_space<hbm>>) target(%dma_start3A_53 : memref<128xi32, #tpu.memory_space<vmem>>) target_semaphore(%run_scoped3A_46 : memref<!tpu.dma_semaphore, #tpu.memory_space<semaphore_mem>>)
      %dma_wait3A_55 = arith.constant 0 : i32
      %dma_wait3A_56 = tpu.memref_slice %arg5[%run_scoped3A, %dma_wait3A_55] : memref<2x128xi32, #tpu.memory_space<vmem>> -> memref<1x128xi32, #tpu.memory_space<vmem>>
      %dma_wait3A_57 = tpu.memref_squeeze %dma_wait3A_56 : memref<1x128xi32, #tpu.memory_space<vmem>> -> memref<128xi32, #tpu.memory_space<vmem>>
      %dma_wait3A_58 = tpu.memref_slice %arg3[%add3A_4] : memref<8192xi32, #tpu.memory_space<hbm>> -> memref<128xi32, #tpu.memory_space<hbm>>
      %dma_wait3A_59 = arith.constant 0 : i32
      %dma_wait3A_60 = tpu.memref_slice %arg5[%run_scoped3A, %dma_wait3A_59] : memref<2x128xi32, #tpu.memory_space<vmem>> -> memref<1x128xi32, #tpu.memory_space<vmem>>
      %dma_wait3A_61 = tpu.memref_squeeze %dma_wait3A_60 : memref<1x128xi32, #tpu.memory_space<vmem>> -> memref<128xi32, #tpu.memory_space<vmem>>
      %dma_wait3A_62 = tpu.memref_slice %arg3[%add3A_4] : memref<8192xi32, #tpu.memory_space<hbm>> -> memref<128xi32, #tpu.memory_space<hbm>>
      tpu.wait_dma2 semaphore(%run_scoped3A_46 : memref<!tpu.dma_semaphore, #tpu.memory_space<semaphore_mem>>) src(%dma_wait3A_62 : memref<128xi32, #tpu.memory_space<hbm>>) dst(%dma_wait3A_61 : memref<128xi32, #tpu.memory_space<vmem>>)
      tpu.yield
    }) : () -> ()
    %dma_start3A = arith.constant 0 : i32
    %dma_start3A_5 = arith.constant 0 : i32
    %dma_start3A_6 = arith.constant 0 : i32
    %dma_start3A_7 = tpu.memref_slice %arg6[%dma_start3A_5, %dma_start3A_6] : memref<256x32xf32, #tpu.memory_space<vmem>> -> memref<128x32xf32, #tpu.memory_space<vmem>>
    %dma_start3A_8 = arith.constant 0 : i32
    %dma_start3A_9 = tpu.memref_slice %arg5[%dma_start3A, %dma_start3A_8] : memref<2x128xi32, #tpu.memory_space<vmem>> -> memref<1x128xi32, #tpu.memory_space<vmem>>
    %dma_start3A_10 = tpu.memref_squeeze %dma_start3A_9 : memref<1x128xi32, #tpu.memory_space<vmem>> -> memref<128xi32, #tpu.memory_space<vmem>>
    %dma_start3A_11 = arith.constant 0 : i32
    %dma_start3A_12 = arith.constant 0 : i32
    %dma_start3A_13 = tpu.memref_slice %arg2[%dma_start3A_11, %dma_start3A_12] : memref<8192x32xf32, #tpu.memory_space<hbm>> -> memref<8192x32xf32, #tpu.memory_space<hbm>>
    tpu.enqueue_indirect_dma source(%dma_start3A_13 : memref<8192x32xf32, #tpu.memory_space<hbm>>) target(%dma_start3A_7 : memref<128x32xf32, #tpu.memory_space<vmem>>) offsets(%dma_start3A_10 : memref<128xi32, #tpu.memory_space<vmem>>) semaphore(%arg7 : memref<!tpu.dma_semaphore, #tpu.memory_space<semaphore_mem>>)
    %dma_wait3A = arith.constant 0 : i32
    %dma_wait3A_14 = arith.constant 0 : i32
    %dma_wait3A_15 = arith.constant 0 : i32
    %dma_wait3A_16 = tpu.memref_slice %arg6[%dma_wait3A_14, %dma_wait3A_15] : memref<256x32xf32, #tpu.memory_space<vmem>> -> memref<128x32xf32, #tpu.memory_space<vmem>>
    %dma_wait3A_17 = arith.constant 0 : i32
    %dma_wait3A_18 = tpu.memref_slice %arg5[%dma_wait3A, %dma_wait3A_17] : memref<2x128xi32, #tpu.memory_space<vmem>> -> memref<1x128xi32, #tpu.memory_space<vmem>>
    %dma_wait3A_19 = tpu.memref_squeeze %dma_wait3A_18 : memref<1x128xi32, #tpu.memory_space<vmem>> -> memref<128xi32, #tpu.memory_space<vmem>>
    %dma_wait3A_20 = arith.constant 0 : i32
    %dma_wait3A_21 = arith.constant 0 : i32
    %dma_wait3A_22 = tpu.memref_slice %arg2[%dma_wait3A_20, %dma_wait3A_21] : memref<8192x32xf32, #tpu.memory_space<hbm>> -> memref<8192x32xf32, #tpu.memory_space<hbm>>
    tpu.wait_indirect_dma semaphore(%arg7 : memref<!tpu.dma_semaphore, #tpu.memory_space<semaphore_mem>>) src(%dma_wait3A_22 : memref<8192x32xf32, #tpu.memory_space<hbm>>) dst(%dma_wait3A_16 : memref<128x32xf32, #tpu.memory_space<vmem>>)
    %add3A_23 = arith.constant 128 : i32
    %add3A_24 = arith.addi %mul3A_2, %add3A_23 : i32
    %run_scoped3A_25 = arith.constant 1 : i32
    "tpu.region"() ({
      %run_scoped3A_46 = tpu.sem_alloc : memref<!tpu.dma_semaphore, #tpu.memory_space<semaphore_mem>>
      %dma_start3A_47 = arith.constant 0 : i32
      %dma_start3A_48 = tpu.memref_slice %arg5[%run_scoped3A_25, %dma_start3A_47] : memref<2x128xi32, #tpu.memory_space<vmem>> -> memref<1x128xi32, #tpu.memory_space<vmem>>
      %dma_start3A_49 = tpu.memref_squeeze %dma_start3A_48 : memref<1x128xi32, #tpu.memory_space<vmem>> -> memref<128xi32, #tpu.memory_space<vmem>>
      %dma_start3A_50 = tpu.memref_slice %arg3[%add3A_24] : memref<8192xi32, #tpu.memory_space<hbm>> -> memref<128xi32, #tpu.memory_space<hbm>>
      %dma_start3A_51 = arith.constant 0 : i32
      %dma_start3A_52 = tpu.memref_slice %arg5[%run_scoped3A_25, %dma_start3A_51] : memref<2x128xi32, #tpu.memory_space<vmem>> -> memref<1x128xi32, #tpu.memory_space<vmem>>
      %dma_start3A_53 = tpu.memref_squeeze %dma_start3A_52 : memref<1x128xi32, #tpu.memory_space<vmem>> -> memref<128xi32, #tpu.memory_space<vmem>>
      %dma_start3A_54 = tpu.memref_slice %arg3[%add3A_24] : memref<8192xi32, #tpu.memory_space<hbm>> -> memref<128xi32, #tpu.memory_space<hbm>>
      tpu.enqueue_dma source(%dma_start3A_54 : memref<128xi32, #tpu.memory_space<hbm>>) target(%dma_start3A_53 : memref<128xi32, #tpu.memory_space<vmem>>) target_semaphore(%run_scoped3A_46 : memref<!tpu.dma_semaphore, #tpu.memory_space<semaphore_mem>>)
      %dma_wait3A_55 = arith.constant 0 : i32
      %dma_wait3A_56 = tpu.memref_slice %arg5[%run_scoped3A_25, %dma_wait3A_55] : memref<2x128xi32, #tpu.memory_space<vmem>> -> memref<1x128xi32, #tpu.memory_space<vmem>>
      %dma_wait3A_57 = tpu.memref_squeeze %dma_wait3A_56 : memref<1x128xi32, #tpu.memory_space<vmem>> -> memref<128xi32, #tpu.memory_space<vmem>>
      %dma_wait3A_58 = tpu.memref_slice %arg3[%add3A_24] : memref<8192xi32, #tpu.memory_space<hbm>> -> memref<128xi32, #tpu.memory_space<hbm>>
      %dma_wait3A_59 = arith.constant 0 : i32
      %dma_wait3A_60 = tpu.memref_slice %arg5[%run_scoped3A_25, %dma_wait3A_59] : memref<2x128xi32, #tpu.memory_space<vmem>> -> memref<1x128xi32, #tpu.memory_space<vmem>>
      %dma_wait3A_61 = tpu.memref_squeeze %dma_wait3A_60 : memref<1x128xi32, #tpu.memory_space<vmem>> -> memref<128xi32, #tpu.memory_space<vmem>>
      %dma_wait3A_62 = tpu.memref_slice %arg3[%add3A_24] : memref<8192xi32, #tpu.memory_space<hbm>> -> memref<128xi32, #tpu.memory_space<hbm>>
      tpu.wait_dma2 semaphore(%run_scoped3A_46 : memref<!tpu.dma_semaphore, #tpu.memory_space<semaphore_mem>>) src(%dma_wait3A_62 : memref<128xi32, #tpu.memory_space<hbm>>) dst(%dma_wait3A_61 : memref<128xi32, #tpu.memory_space<vmem>>)
      tpu.yield
    }) : () -> ()
    %dma_start3A_26 = arith.constant 1 : i32
    %dma_start3A_27 = arith.constant 128 : i32
    %dma_start3A_28 = arith.constant 0 : i32
    %dma_start3A_29 = tpu.memref_slice %arg6[%dma_start3A_27, %dma_start3A_28] : memref<256x32xf32, #tpu.memory_space<vmem>> -> memref<128x32xf32, #tpu.memory_space<vmem>>
    %dma_start3A_30 = arith.constant 0 : i32
    %dma_start3A_31 = tpu.memref_slice %arg5[%dma_start3A_26, %dma_start3A_30] : memref<2x128xi32, #tpu.memory_space<vmem>> -> memref<1x128xi32, #tpu.memory_space<vmem>>
    %dma_start3A_32 = tpu.memref_squeeze %dma_start3A_31 : memref<1x128xi32, #tpu.memory_space<vmem>> -> memref<128xi32, #tpu.memory_space<vmem>>
    %dma_start3A_33 = arith.constant 0 : i32
    %dma_start3A_34 = arith.constant 0 : i32
    %dma_start3A_35 = tpu.memref_slice %arg2[%dma_start3A_33, %dma_start3A_34] : memref<8192x32xf32, #tpu.memory_space<hbm>> -> memref<8192x32xf32, #tpu.memory_space<hbm>>
    tpu.enqueue_indirect_dma source(%dma_start3A_35 : memref<8192x32xf32, #tpu.memory_space<hbm>>) target(%dma_start3A_29 : memref<128x32xf32, #tpu.memory_space<vmem>>) offsets(%dma_start3A_32 : memref<128xi32, #tpu.memory_space<vmem>>) semaphore(%arg7 : memref<!tpu.dma_semaphore, #tpu.memory_space<semaphore_mem>>)
    %dma_wait3A_36 = arith.constant 1 : i32
    %dma_wait3A_37 = arith.constant 128 : i32
    %dma_wait3A_38 = arith.constant 0 : i32
    %dma_wait3A_39 = tpu.memref_slice %arg6[%dma_wait3A_37, %dma_wait3A_38] : memref<256x32xf32, #tpu.memory_space<vmem>> -> memref<128x32xf32, #tpu.memory_space<vmem>>
    %dma_wait3A_40 = arith.constant 0 : i32
    %dma_wait3A_41 = tpu.memref_slice %arg5[%dma_wait3A_36, %dma_wait3A_40] : memref<2x128xi32, #tpu.memory_space<vmem>> -> memref<1x128xi32, #tpu.memory_space<vmem>>
    %dma_wait3A_42 = tpu.memref_squeeze %dma_wait3A_41 : memref<1x128xi32, #tpu.memory_space<vmem>> -> memref<128xi32, #tpu.memory_space<vmem>>
    %dma_wait3A_43 = arith.constant 0 : i32
    %dma_wait3A_44 = arith.constant 0 : i32
    %dma_wait3A_45 = tpu.memref_slice %arg2[%dma_wait3A_43, %dma_wait3A_44] : memref<8192x32xf32, #tpu.memory_space<hbm>> -> memref<8192x32xf32, #tpu.memory_space<hbm>>
    tpu.wait_indirect_dma semaphore(%arg7 : memref<!tpu.dma_semaphore, #tpu.memory_space<semaphore_mem>>) src(%dma_wait3A_45 : memref<8192x32xf32, #tpu.memory_space<hbm>>) dst(%dma_wait3A_39 : memref<128x32xf32, #tpu.memory_space<vmem>>)
    "tpu.region"() ({
      %run_scoped3A_46 = tpu.sem_alloc : memref<!tpu.dma_semaphore, #tpu.memory_space<semaphore_mem>>
      %dma_start3A_47 = arith.constant 0 : i32
      %dma_start3A_48 = tpu.memref_slice %arg4[%mul3A_2, %dma_start3A_47] : memref<8192x32xf32, #tpu.memory_space<hbm>> -> memref<256x32xf32, #tpu.memory_space<hbm>>
      %dma_start3A_49 = arith.constant 0 : i32
      %dma_start3A_50 = tpu.memref_slice %arg4[%mul3A_2, %dma_start3A_49] : memref<8192x32xf32, #tpu.memory_space<hbm>> -> memref<256x32xf32, #tpu.memory_space<hbm>>
      tpu.enqueue_dma source(%arg6 : memref<256x32xf32, #tpu.memory_space<vmem>>) target(%dma_start3A_50 : memref<256x32xf32, #tpu.memory_space<hbm>>) target_semaphore(%run_scoped3A_46 : memref<!tpu.dma_semaphore, #tpu.memory_space<semaphore_mem>>)
      %dma_wait3A_51 = arith.constant 0 : i32
      %dma_wait3A_52 = tpu.memref_slice %arg4[%mul3A_2, %dma_wait3A_51] : memref<8192x32xf32, #tpu.memory_space<hbm>> -> memref<256x32xf32, #tpu.memory_space<hbm>>
      %dma_wait3A_53 = arith.constant 0 : i32
      %dma_wait3A_54 = tpu.memref_slice %arg4[%mul3A_2, %dma_wait3A_53] : memref<8192x32xf32, #tpu.memory_space<hbm>> -> memref<256x32xf32, #tpu.memory_space<hbm>>
      tpu.wait_dma2 semaphore(%run_scoped3A_46 : memref<!tpu.dma_semaphore, #tpu.memory_space<semaphore_mem>>) src(%arg6 : memref<256x32xf32, #tpu.memory_space<vmem>>) dst(%dma_wait3A_54 : memref<256x32xf32, #tpu.memory_space<hbm>>)
      tpu.yield
    }) : () -> ()
    return
  }
}

module attributes {stable_mosaic.version = 14 : i64} {
  func.func @_argmin_body(%arg0: i32, %arg1: memref<1024x32xbf16, #tpu.memory_space<vmem>>, %arg2: memref<32x8192xbf16, #tpu.memory_space<vmem>>, %arg3: memref<1024x1xf32, #tpu.memory_space<vmem>>, %arg4: memref<1x8192xf32, #tpu.memory_space<vmem>>, %arg5: memref<1x1x1024xi32, #tpu.memory_space<vmem>>, %arg6: memref<1x1xf32, #tpu.memory_space<smem>>) attributes {dimension_semantics = [#tpu.dimension_semantics<arbitrary>], iteration_bounds = array<i64: 8>, scalar_prefetch = 0 : i64, scratch_operands = 0 : i64, tpu.core_type = #tpu.core_type<tc>, window_params = [{transform_indices = @transform_0, window_bounds = array<i64: 1024, 32>}, {pipeline_mode = #tpu.pipeline_mode<synchronous>, transform_indices = @transform_1, window_bounds = array<i64: 32, 8192>}, {transform_indices = @transform_2, window_bounds = array<i64: 1024, 1>}, {pipeline_mode = #tpu.pipeline_mode<synchronous>, transform_indices = @transform_3, window_bounds = array<i64: 1, 8192>}, {transform_indices = @transform_4, window_bounds = array<i64: 1, 1, 1024>}, {transform_indices = @transform_5, window_bounds = array<i64: 1, 1>}]} {
    %get3A = arith.constant 0 : index
    %get3A_0 = arith.constant 0 : index
    %get3A_1 = vector.load %arg1[%get3A, %get3A_0] : memref<1024x32xbf16, #tpu.memory_space<vmem>>, vector<1024x32xbf16>
    %get3A_2 = arith.constant 0 : index
    %get3A_3 = arith.constant 0 : index
    %get3A_4 = vector.load %arg2[%get3A_2, %get3A_3] : memref<32x8192xbf16, #tpu.memory_space<vmem>>, vector<32x8192xbf16>
    %dot_general3A = arith.constant dense<0.000000e+00> : vector<1024x8192xf32>
    %dot_general3A_5 = tpu.matmul %get3A_1, %get3A_4, %dot_general3A {dimension_numbers = #tpu.dot_dimension_numbers<[1], [0], [0], [1], [0, 0, 1, 1], [], []>, transpose_lhs_hint = false} : vector<1024x32xbf16>, vector<32x8192xbf16>, vector<1024x8192xf32> -> vector<1024x8192xf32>
    %get3A_6 = arith.constant 0 : index
    %get3A_7 = arith.constant 0 : index
    %get3A_8 = vector.load %arg3[%get3A_6, %get3A_7] : memref<1024x1xf32, #tpu.memory_space<vmem>>, vector<1024x1xf32>
    %get3A_9 = arith.constant 0 : index
    %get3A_10 = arith.constant 0 : index
    %get3A_11 = vector.load %arg4[%get3A_9, %get3A_10] : memref<1x8192xf32, #tpu.memory_space<vmem>>, vector<1x8192xf32>
    %add3A = vector.broadcast %get3A_8 : vector<1024x1xf32> to vector<1024x8192xf32>
    %add3A_12 = vector.broadcast %get3A_11 : vector<1x8192xf32> to vector<1024x8192xf32>
    %add3A_13 = arith.addf %add3A, %add3A_12 : vector<1024x8192xf32>
    %mul3A = arith.constant 2.000000e+00 : f32
    %mul3A_14 = vector.broadcast %mul3A : f32 to vector<1024x8192xf32>
    %mul3A_15 = arith.mulf %mul3A_14, %dot_general3A_5 : vector<1024x8192xf32>
    %sub3A = arith.subf %add3A_13, %mul3A_15 : vector<1024x8192xf32>
    %slice3A = vector.extract_strided_slice %sub3A {offsets = [0, 0], sizes = [1024, 2048], strides = [1, 1]} : vector<1024x8192xf32> to vector<1024x2048xf32>
    %reduce_min3A = arith.constant dense<0x7F800000> : vector<1024xf32>
    %reduce_min3A_16 = vector.multi_reduction <minimumf>, %slice3A, %reduce_min3A [1] : vector<1024x2048xf32> to vector<1024xf32>
    %iota3A = tpu.iota {dimensions = array<i32: 1>} : vector<1024x2048xi32>
    %add3A_17 = arith.constant 0 : i32
    %add3A_18 = vector.broadcast %add3A_17 : i32 to vector<1024x2048xi32>
    %add3A_19 = arith.addi %iota3A, %add3A_18 : vector<1024x2048xi32>
    %broadcast_in_dim3A = vector.shape_cast %reduce_min3A_16 : vector<1024xf32> to vector<1024x1xf32>
    %eq3A = vector.broadcast %broadcast_in_dim3A : vector<1024x1xf32> to vector<1024x2048xf32>
    %eq3A_20 = arith.cmpf oeq, %slice3A, %eq3A : vector<1024x2048xf32>
    %jit3A = arith.constant 8192 : i32
    %broadcast_in_dim3A_21 = vector.broadcast %jit3A : i32 to vector<1024x2048xi32>
    %select_n3A = arith.select %eq3A_20, %add3A_19, %broadcast_in_dim3A_21 : vector<1024x2048xi1>, vector<1024x2048xi32>
    %reduce_min3A_22 = arith.constant dense<2147483647> : vector<1024xi32>
    %reduce_min3A_23 = vector.multi_reduction <minsi>, %select_n3A, %reduce_min3A_22 [1] : vector<1024x2048xi32> to vector<1024xi32>
    %convert_element_type3A = arith.truncf %reduce_min3A_16 : vector<1024xf32> to vector<1024xbf16>
    %slice3A_24 = vector.extract_strided_slice %sub3A {offsets = [0, 2048], sizes = [1024, 2048], strides = [1, 1]} : vector<1024x8192xf32> to vector<1024x2048xf32>
    %reduce_min3A_25 = arith.constant dense<0x7F800000> : vector<1024xf32>
    %reduce_min3A_26 = vector.multi_reduction <minimumf>, %slice3A_24, %reduce_min3A_25 [1] : vector<1024x2048xf32> to vector<1024xf32>
    %iota3A_27 = tpu.iota {dimensions = array<i32: 1>} : vector<1024x2048xi32>
    %add3A_28 = arith.constant 2048 : i32
    %add3A_29 = vector.broadcast %add3A_28 : i32 to vector<1024x2048xi32>
    %add3A_30 = arith.addi %iota3A_27, %add3A_29 : vector<1024x2048xi32>
    %broadcast_in_dim3A_31 = vector.shape_cast %reduce_min3A_26 : vector<1024xf32> to vector<1024x1xf32>
    %eq3A_32 = vector.broadcast %broadcast_in_dim3A_31 : vector<1024x1xf32> to vector<1024x2048xf32>
    %eq3A_33 = arith.cmpf oeq, %slice3A_24, %eq3A_32 : vector<1024x2048xf32>
    %jit3A_34 = arith.constant 8192 : i32
    %broadcast_in_dim3A_35 = vector.broadcast %jit3A_34 : i32 to vector<1024x2048xi32>
    %select_n3A_36 = arith.select %eq3A_33, %add3A_30, %broadcast_in_dim3A_35 : vector<1024x2048xi1>, vector<1024x2048xi32>
    %reduce_min3A_37 = arith.constant dense<2147483647> : vector<1024xi32>
    %reduce_min3A_38 = vector.multi_reduction <minsi>, %select_n3A_36, %reduce_min3A_37 [1] : vector<1024x2048xi32> to vector<1024xi32>
    %convert_element_type3A_39 = arith.extf %convert_element_type3A : vector<1024xbf16> to vector<1024xf32>
    %lt3A = arith.cmpf olt, %reduce_min3A_26, %convert_element_type3A_39 : vector<1024xf32>
    %select_n3A_40 = arith.select %lt3A, %reduce_min3A_38, %reduce_min3A_23 : vector<1024xi1>, vector<1024xi32>
    %select_n3A_41 = arith.select %lt3A, %reduce_min3A_26, %reduce_min3A_16 : vector<1024xi1>, vector<1024xf32>
    %convert_element_type3A_42 = arith.truncf %reduce_min3A_26 : vector<1024xf32> to vector<1024xbf16>
    %select_n3A_43 = arith.select %lt3A, %convert_element_type3A_42, %convert_element_type3A : vector<1024xi1>, vector<1024xbf16>
    %slice3A_44 = vector.extract_strided_slice %sub3A {offsets = [0, 4096], sizes = [1024, 2048], strides = [1, 1]} : vector<1024x8192xf32> to vector<1024x2048xf32>
    %reduce_min3A_45 = arith.constant dense<0x7F800000> : vector<1024xf32>
    %reduce_min3A_46 = vector.multi_reduction <minimumf>, %slice3A_44, %reduce_min3A_45 [1] : vector<1024x2048xf32> to vector<1024xf32>
    %iota3A_47 = tpu.iota {dimensions = array<i32: 1>} : vector<1024x2048xi32>
    %add3A_48 = arith.constant 4096 : i32
    %add3A_49 = vector.broadcast %add3A_48 : i32 to vector<1024x2048xi32>
    %add3A_50 = arith.addi %iota3A_47, %add3A_49 : vector<1024x2048xi32>
    %broadcast_in_dim3A_51 = vector.shape_cast %reduce_min3A_46 : vector<1024xf32> to vector<1024x1xf32>
    %eq3A_52 = vector.broadcast %broadcast_in_dim3A_51 : vector<1024x1xf32> to vector<1024x2048xf32>
    %eq3A_53 = arith.cmpf oeq, %slice3A_44, %eq3A_52 : vector<1024x2048xf32>
    %jit3A_54 = arith.constant 8192 : i32
    %broadcast_in_dim3A_55 = vector.broadcast %jit3A_54 : i32 to vector<1024x2048xi32>
    %select_n3A_56 = arith.select %eq3A_53, %add3A_50, %broadcast_in_dim3A_55 : vector<1024x2048xi1>, vector<1024x2048xi32>
    %reduce_min3A_57 = arith.constant dense<2147483647> : vector<1024xi32>
    %reduce_min3A_58 = vector.multi_reduction <minsi>, %select_n3A_56, %reduce_min3A_57 [1] : vector<1024x2048xi32> to vector<1024xi32>
    %convert_element_type3A_59 = arith.extf %select_n3A_43 : vector<1024xbf16> to vector<1024xf32>
    %lt3A_60 = arith.cmpf olt, %reduce_min3A_46, %convert_element_type3A_59 : vector<1024xf32>
    %select_n3A_61 = arith.select %lt3A_60, %reduce_min3A_58, %select_n3A_40 : vector<1024xi1>, vector<1024xi32>
    %select_n3A_62 = arith.select %lt3A_60, %reduce_min3A_46, %select_n3A_41 : vector<1024xi1>, vector<1024xf32>
    %convert_element_type3A_63 = arith.truncf %reduce_min3A_46 : vector<1024xf32> to vector<1024xbf16>
    %select_n3A_64 = arith.select %lt3A_60, %convert_element_type3A_63, %select_n3A_43 : vector<1024xi1>, vector<1024xbf16>
    %slice3A_65 = vector.extract_strided_slice %sub3A {offsets = [0, 6144], sizes = [1024, 2048], strides = [1, 1]} : vector<1024x8192xf32> to vector<1024x2048xf32>
    %reduce_min3A_66 = arith.constant dense<0x7F800000> : vector<1024xf32>
    %reduce_min3A_67 = vector.multi_reduction <minimumf>, %slice3A_65, %reduce_min3A_66 [1] : vector<1024x2048xf32> to vector<1024xf32>
    %iota3A_68 = tpu.iota {dimensions = array<i32: 1>} : vector<1024x2048xi32>
    %add3A_69 = arith.constant 6144 : i32
    %add3A_70 = vector.broadcast %add3A_69 : i32 to vector<1024x2048xi32>
    %add3A_71 = arith.addi %iota3A_68, %add3A_70 : vector<1024x2048xi32>
    %broadcast_in_dim3A_72 = vector.shape_cast %reduce_min3A_67 : vector<1024xf32> to vector<1024x1xf32>
    %eq3A_73 = vector.broadcast %broadcast_in_dim3A_72 : vector<1024x1xf32> to vector<1024x2048xf32>
    %eq3A_74 = arith.cmpf oeq, %slice3A_65, %eq3A_73 : vector<1024x2048xf32>
    %jit3A_75 = arith.constant 8192 : i32
    %broadcast_in_dim3A_76 = vector.broadcast %jit3A_75 : i32 to vector<1024x2048xi32>
    %select_n3A_77 = arith.select %eq3A_74, %add3A_71, %broadcast_in_dim3A_76 : vector<1024x2048xi1>, vector<1024x2048xi32>
    %reduce_min3A_78 = arith.constant dense<2147483647> : vector<1024xi32>
    %reduce_min3A_79 = vector.multi_reduction <minsi>, %select_n3A_77, %reduce_min3A_78 [1] : vector<1024x2048xi32> to vector<1024xi32>
    %convert_element_type3A_80 = arith.extf %select_n3A_64 : vector<1024xbf16> to vector<1024xf32>
    %lt3A_81 = arith.cmpf olt, %reduce_min3A_67, %convert_element_type3A_80 : vector<1024xf32>
    %select_n3A_82 = arith.select %lt3A_81, %reduce_min3A_79, %select_n3A_61 : vector<1024xi1>, vector<1024xi32>
    %select_n3A_83 = arith.select %lt3A_81, %reduce_min3A_67, %select_n3A_62 : vector<1024xi1>, vector<1024xf32>
    %swap3A = arith.constant 0 : index
    %swap3A_84 = arith.constant 0 : index
    %swap3A_85 = arith.constant 0 : index
    %swap3A_86 = vector.load %arg5[%swap3A, %swap3A_84, %swap3A_85] : memref<1x1x1024xi32, #tpu.memory_space<vmem>>, vector<1x1x1024xi32>
    %swap3A_87 = vector.shape_cast %swap3A_86 : vector<1x1x1024xi32> to vector<1024xi32>
    %swap3A_88 = vector.shape_cast %select_n3A_82 : vector<1024xi32> to vector<1x1x1024xi32>
    tpu.vector_store %arg5[%swap3A, %swap3A_84, %swap3A_85], %swap3A_88 {strides = array<i32>} : memref<1x1x1024xi32, #tpu.memory_space<vmem>>, vector<1x1x1024xi32>,
    %eq3A_89 = arith.constant 0 : i32
    %eq3A_90 = arith.cmpi eq, %arg0, %eq3A_89 : i32
    %convert_element_type3A_91 = arith.extui %eq3A_90 : i1 to i32
    %cond3A = arith.constant 0 : i32
    %cond3A_92 = arith.cmpi ne, %convert_element_type3A_91, %cond3A : i32
    scf.if %cond3A_92 {
      %swap3A_104 = arith.constant 0.000000e+00 : f32
      %swap3A_105 = arith.constant 0 : index
      %swap3A_106 = arith.constant 0 : index
      %swap3A_107 = memref.load %arg6[%swap3A_105, %swap3A_106] : memref<1x1xf32, #tpu.memory_space<smem>>
      memref.store %swap3A_104, %arg6[%swap3A_105, %swap3A_106] : memref<1x1xf32, #tpu.memory_space<smem>>
    } else {
    }
    %get3A_93 = arith.constant 0 : index
    %get3A_94 = arith.constant 0 : index
    %get3A_95 = memref.load %arg6[%get3A_93, %get3A_94] : memref<1x1xf32, #tpu.memory_space<smem>>
    %reduce_sum3A = vector.shape_cast %select_n3A_83 : vector<1024xf32> to vector<1x1024xf32>
    %reduce_sum3A_96 = arith.constant dense<0.000000e+00> : vector<1xf32>
    %reduce_sum3A_97 = vector.multi_reduction <add>, %reduce_sum3A, %reduce_sum3A_96 [1] : vector<1x1024xf32> to vector<1xf32>
    %reduce_sum3A_98 = vector.shape_cast %reduce_sum3A_97 : vector<1xf32> to vector<1x1xf32>
    %reduce_sum3A_99 = vector.extract %reduce_sum3A_98[0, 0] : f32 from vector<1x1xf32>
    %add3A_100 = arith.addf %get3A_95, %reduce_sum3A_99 : f32
    %swap3A_101 = arith.constant 0 : index
    %swap3A_102 = arith.constant 0 : index
    %swap3A_103 = memref.load %arg6[%swap3A_101, %swap3A_102] : memref<1x1xf32, #tpu.memory_space<smem>>
    memref.store %add3A_100, %arg6[%swap3A_101, %swap3A_102] : memref<1x1xf32, #tpu.memory_space<smem>>
    return
  }
  func.func @transform_0(%arg0: i32) -> (i32, i32) {
    %c0_i32 = arith.constant 0 : i32
    %c0_i32_0 = arith.constant 0 : i32
    return %arg0, %c0_i32 : i32, i32
  }
  func.func @transform_1(%arg0: i32) -> (i32, i32) {
    %c0_i32 = arith.constant 0 : i32
    %c0_i32_0 = arith.constant 0 : i32
    %c0_i32_1 = arith.constant 0 : i32
    return %c0_i32, %c0_i32_0 : i32, i32
  }
  func.func @transform_2(%arg0: i32) -> (i32, i32) {
    %c0_i32 = arith.constant 0 : i32
    %c0_i32_0 = arith.constant 0 : i32
    return %arg0, %c0_i32 : i32, i32
  }
  func.func @transform_3(%arg0: i32) -> (i32, i32) {
    %c0_i32 = arith.constant 0 : i32
    %c0_i32_0 = arith.constant 0 : i32
    %c0_i32_1 = arith.constant 0 : i32
    return %c0_i32, %c0_i32_0 : i32, i32
  }
  func.func @transform_4(%arg0: i32) -> (i32, i32, i32) {
    %c0_i32 = arith.constant 0 : i32
    %c0_i32_0 = arith.constant 0 : i32
    %c0_i32_1 = arith.constant 0 : i32
    return %arg0, %c0_i32, %c0_i32_0 : i32, i32, i32
  }
  func.func @transform_5(%arg0: i32) -> (i32, i32) {
    %c0_i32 = arith.constant 0 : i32
    %c0_i32_0 = arith.constant 0 : i32
    %c0_i32_1 = arith.constant 0 : i32
    return %c0_i32, %c0_i32_0 : i32, i32
  }
}

module attributes {stable_mosaic.version = 14 : i64} {
  func.func @_argmin_body(%arg0: i32, %arg1: memref<1024x64xbf16, #tpu.memory_space<vmem>>, %arg2: memref<64x8192xbf16, #tpu.memory_space<vmem>>, %arg3: memref<1024x1xf32, #tpu.memory_space<vmem>>, %arg4: memref<1x8192xf32, #tpu.memory_space<vmem>>, %arg5: memref<1x1x1024xi32, #tpu.memory_space<vmem>>, %arg6: memref<1x1xf32, #tpu.memory_space<smem>>) attributes {dimension_semantics = [#tpu.dimension_semantics<arbitrary>], iteration_bounds = array<i64: 2>, scalar_prefetch = 0 : i64, scratch_operands = 0 : i64, tpu.core_type = #tpu.core_type<tc>, window_params = [{transform_indices = @transform_0, window_bounds = array<i64: 1024, 64>}, {pipeline_mode = #tpu.pipeline_mode<synchronous>, transform_indices = @transform_1, window_bounds = array<i64: 64, 8192>}, {transform_indices = @transform_2, window_bounds = array<i64: 1024, 1>}, {pipeline_mode = #tpu.pipeline_mode<synchronous>, transform_indices = @transform_3, window_bounds = array<i64: 1, 8192>}, {transform_indices = @transform_4, window_bounds = array<i64: 1, 1, 1024>}, {transform_indices = @transform_5, window_bounds = array<i64: 1, 1>}]} {
    %get3A = arith.constant 0 : index
    %get3A_0 = arith.constant 0 : index
    %get3A_1 = vector.load %arg1[%get3A, %get3A_0] : memref<1024x64xbf16, #tpu.memory_space<vmem>>, vector<1024x64xbf16>
    %get3A_2 = arith.constant 0 : index
    %get3A_3 = arith.constant 0 : index
    %get3A_4 = vector.load %arg2[%get3A_2, %get3A_3] : memref<64x8192xbf16, #tpu.memory_space<vmem>>, vector<64x8192xbf16>
    %dot_general3A = arith.constant dense<0.000000e+00> : vector<1024x8192xf32>
    %dot_general3A_5 = tpu.matmul %get3A_1, %get3A_4, %dot_general3A {dimension_numbers = #tpu.dot_dimension_numbers<[1], [0], [0], [1], [0, 0, 1, 1], [], []>, transpose_lhs_hint = false} : vector<1024x64xbf16>, vector<64x8192xbf16>, vector<1024x8192xf32> -> vector<1024x8192xf32>
    %get3A_6 = arith.constant 0 : index
    %get3A_7 = arith.constant 0 : index
    %get3A_8 = vector.load %arg3[%get3A_6, %get3A_7] : memref<1024x1xf32, #tpu.memory_space<vmem>>, vector<1024x1xf32>
    %get3A_9 = arith.constant 0 : index
    %get3A_10 = arith.constant 0 : index
    %get3A_11 = vector.load %arg4[%get3A_9, %get3A_10] : memref<1x8192xf32, #tpu.memory_space<vmem>>, vector<1x8192xf32>
    %add3A = vector.broadcast %get3A_8 : vector<1024x1xf32> to vector<1024x8192xf32>
    %add3A_12 = vector.broadcast %get3A_11 : vector<1x8192xf32> to vector<1024x8192xf32>
    %add3A_13 = arith.addf %add3A, %add3A_12 : vector<1024x8192xf32>
    %mul3A = arith.constant 2.000000e+00 : f32
    %mul3A_14 = vector.broadcast %mul3A : f32 to vector<1024x8192xf32>
    %mul3A_15 = arith.mulf %mul3A_14, %dot_general3A_5 : vector<1024x8192xf32>
    %sub3A = arith.subf %add3A_13, %mul3A_15 : vector<1024x8192xf32>
    %reduce_min3A = arith.constant dense<0x7F800000> : vector<1024xf32>
    %reduce_min3A_16 = vector.multi_reduction <minimumf>, %sub3A, %reduce_min3A [1] : vector<1024x8192xf32> to vector<1024xf32>
    %iota3A = tpu.iota {dimensions = array<i32: 1>} : vector<1024x8192xi32>
    %broadcast_in_dim3A = vector.shape_cast %reduce_min3A_16 : vector<1024xf32> to vector<1024x1xf32>
    %eq3A = vector.broadcast %broadcast_in_dim3A : vector<1024x1xf32> to vector<1024x8192xf32>
    %eq3A_17 = arith.cmpf oeq, %sub3A, %eq3A : vector<1024x8192xf32>
    %jit3A = arith.constant 8192 : i32
    %broadcast_in_dim3A_18 = vector.broadcast %jit3A : i32 to vector<1024x8192xi32>
    %select_n3A = arith.select %eq3A_17, %iota3A, %broadcast_in_dim3A_18 : vector<1024x8192xi1>, vector<1024x8192xi32>
    %reduce_min3A_19 = arith.constant dense<2147483647> : vector<1024xi32>
    %reduce_min3A_20 = vector.multi_reduction <minsi>, %select_n3A, %reduce_min3A_19 [1] : vector<1024x8192xi32> to vector<1024xi32>
    %swap3A = arith.constant 0 : index
    %swap3A_21 = arith.constant 0 : index
    %swap3A_22 = arith.constant 0 : index
    %swap3A_23 = vector.load %arg5[%swap3A, %swap3A_21, %swap3A_22] : memref<1x1x1024xi32, #tpu.memory_space<vmem>>, vector<1x1x1024xi32>
    %swap3A_24 = vector.shape_cast %swap3A_23 : vector<1x1x1024xi32> to vector<1024xi32>
    %swap3A_25 = vector.shape_cast %reduce_min3A_20 : vector<1024xi32> to vector<1x1x1024xi32>
    tpu.vector_store %arg5[%swap3A, %swap3A_21, %swap3A_22], %swap3A_25 {strides = array<i32>} : memref<1x1x1024xi32, #tpu.memory_space<vmem>>, vector<1x1x1024xi32>,
    %eq3A_26 = arith.constant 0 : i32
    %eq3A_27 = arith.cmpi eq, %arg0, %eq3A_26 : i32
    %convert_element_type3A = arith.extui %eq3A_27 : i1 to i32
    %cond3A = arith.constant 0 : i32
    %cond3A_28 = arith.cmpi ne, %convert_element_type3A, %cond3A : i32
    scf.if %cond3A_28 {
      %swap3A_40 = arith.constant 0.000000e+00 : f32
      %swap3A_41 = arith.constant 0 : index
      %swap3A_42 = arith.constant 0 : index
      %swap3A_43 = memref.load %arg6[%swap3A_41, %swap3A_42] : memref<1x1xf32, #tpu.memory_space<smem>>
      memref.store %swap3A_40, %arg6[%swap3A_41, %swap3A_42] : memref<1x1xf32, #tpu.memory_space<smem>>
    } else {
    }
    %get3A_29 = arith.constant 0 : index
    %get3A_30 = arith.constant 0 : index
    %get3A_31 = memref.load %arg6[%get3A_29, %get3A_30] : memref<1x1xf32, #tpu.memory_space<smem>>
    %reduce_sum3A = vector.shape_cast %reduce_min3A_16 : vector<1024xf32> to vector<1x1024xf32>
    %reduce_sum3A_32 = arith.constant dense<0.000000e+00> : vector<1xf32>
    %reduce_sum3A_33 = vector.multi_reduction <add>, %reduce_sum3A, %reduce_sum3A_32 [1] : vector<1x1024xf32> to vector<1xf32>
    %reduce_sum3A_34 = vector.shape_cast %reduce_sum3A_33 : vector<1xf32> to vector<1x1xf32>
    %reduce_sum3A_35 = vector.extract %reduce_sum3A_34[0, 0] : f32 from vector<1x1xf32>
    %add3A_36 = arith.addf %get3A_31, %reduce_sum3A_35 : f32
    %swap3A_37 = arith.constant 0 : index
    %swap3A_38 = arith.constant 0 : index
    %swap3A_39 = memref.load %arg6[%swap3A_37, %swap3A_38] : memref<1x1xf32, #tpu.memory_space<smem>>
    memref.store %add3A_36, %arg6[%swap3A_37, %swap3A_38] : memref<1x1xf32, #tpu.memory_space<smem>>
    return
  }
  func.func @transform_0(%arg0: i32) -> (i32, i32) {
    %c0_i32 = arith.constant 0 : i32
    %c0_i32_0 = arith.constant 0 : i32
    return %arg0, %c0_i32 : i32, i32
  }
  func.func @transform_1(%arg0: i32) -> (i32, i32) {
    %c0_i32 = arith.constant 0 : i32
    %c0_i32_0 = arith.constant 0 : i32
    %c0_i32_1 = arith.constant 0 : i32
    return %c0_i32, %c0_i32_0 : i32, i32
  }
  func.func @transform_2(%arg0: i32) -> (i32, i32) {
    %c0_i32 = arith.constant 0 : i32
    %c0_i32_0 = arith.constant 0 : i32
    return %arg0, %c0_i32 : i32, i32
  }
  func.func @transform_3(%arg0: i32) -> (i32, i32) {
    %c0_i32 = arith.constant 0 : i32
    %c0_i32_0 = arith.constant 0 : i32
    %c0_i32_1 = arith.constant 0 : i32
    return %c0_i32, %c0_i32_0 : i32, i32
  }
  func.func @transform_4(%arg0: i32) -> (i32, i32, i32) {
    %c0_i32 = arith.constant 0 : i32
    %c0_i32_0 = arith.constant 0 : i32
    %c0_i32_1 = arith.constant 0 : i32
    return %arg0, %c0_i32, %c0_i32_0 : i32, i32, i32
  }
  func.func @transform_5(%arg0: i32) -> (i32, i32) {
    %c0_i32 = arith.constant 0 : i32
    %c0_i32_0 = arith.constant 0 : i32
    %c0_i32_1 = arith.constant 0 : i32
    return %c0_i32, %c0_i32_0 : i32, i32
  }
}

</mosaic_0001>

<sc_bundles>
// kernel: kernel.6.cloned.1.call-start
scs
__scs_entry_jumppad:
0x0: {  	(pc) =	sbr.rel $0x88, $3  }
0x1: {  	(tag) =	ssettag $0x0;
	lr =	simm.s32 $0x1  }
0x2: {  	[smem:$0x3F9D] =	sst lr;
	_ =	strace $0xD0000000  }
0x3: {  	_ = 	snop  }
0x4: {  	_ = 	snop  }
0x5: {  	_ = 	snop  }
0x6: {  	_ = 	snop  }
0x7: {  	_ = 	snop  }
__scs_overlays_trampoline_lowered:
0x8: {  	[smem:$0x3FAC] =	sst s0  }
0x9: {  	[smem:$0x3FAD] =	sst s1  }
0xa: {  	[smem:$0x3FAE] =	sst s2  }
0xb: {  	[smem:$0x3FAF] =	sst s3  }
0xc: {  	[smem:$0x3FB0] =	sst s4  }
0xd: {  	[smem:$0x3FB1] =	sst s5  }
0xe: {  	[smem:$0x3FB2] =	sst s6  }
0xf: {  	[smem:$0x3FB3] =	sst s7  }
0x10: {  	[smem:$0x3FB4] =	sst s8  }
0x11: {  	[smem:$0x3FB5] =	sst s9;
	s0 =	simm.s32 @!p0 $0x0  }
0x12: {  	s1 =	sld [smem:$0x3F9B];
	s0 =	simm.s32 @p0 $0x1  }
0x13: {  	[smem:$0x3FB6] =	sst s0;
	s0 =	simm.s32 @!p1 $0x0  }
0x14: {  	s2 =	sld [smem:$0x3F9A];
	s0 =	simm.s32 @p1 $0x1  }
0x15: {  	[smem:$0x3FB7] =	sst s0;
	s0 =	simm.s32 @!p2 $0x0  }
0x16: {  	s3 =	sld [smem:$0x3FDB];
	s0 =	simm.s32 @p2 $0x1  }
0x17: {  	s4 =	simm.s32 $0x1BF5;
	[smem:$0x3FB9] =	sst s0  }
0x18: {  	s0 =	sld [smem:$0x3F9C];
	_ =	swait.ge [sflag:s4], $0x0  }
0x19: {  	s7 =	sld [smem:$0x3F9D]  }
0x1a: {  	s8 =	sadd.s32 $0xFFFFE003, lr  }
0x1b: {  	s9 =	sadd.s32 $0xFFFFFEF7, lr;
	s5 =	simm.s32 $0xFFFFFFFF;
	p2 =	slt.u32 s8, $0xFFFFF086  }
0x1c: {  	p1 =	slt.u32 s9, $0xF7A;
	s5 =	simm.s32 @!p2 $0x0  }
0x1d: {  	s5 =	simm.s32 @p1 $0x1;
	p0 =	seq.s32 s7, s2  }
0x1e: {  	s7 =	smul.u32 @!p0 $0xF7A, s2;
	p2 =	seq.s32 @!p0 s5, $0x0  }
0x1f: {  	s9 =	smul.u32 $0xF7A, s1;
	s8 =	simm.s32 @!p0 $0x1BF5;
	p2 =	por !p2, p0  }
0x20: {  	[sflag:s8] =	ssyncset.s32 @!p0 $0xFFFFF086;
	s6 =	sadd.s32 @!p0 s3, s7;
	s7 =	simm.s32 @!p0 $0x108  }
0x21: {  	s3 =	sadd.s32 s3, s9;
	s6 =	sadd.s32 @!p0 $0x88, s6;
	s7 =	simm.s32 @p2 $0x1082  }
0x22: {  	[simem:s7], [sflag:s8] =	dma.local @!p0 [hbm:s6], $0xF7A  }
0x23: {  	s9 =	sor.u32 $0xD0000000, s2;
	s6 =	simm.s32 $0x108;
	_ =	swait.ge @!p0 [sflag:s8], $0x0  }
0x24: {  	s3 =	sadd.s32 $0x88, s3;
	s6 =	simm.s32 @!p1 $0x1082;
	[sflag:s4] =	ssyncset.s32 $0xFFFFF086  }
0x25: {  	[simem:s6], [sflag:s4] =	dma.local [hbm:s3], $0xF7A  }
0x26: {  	[smem:$0x3F9D] =	sst s1;
	(tag) =	ssettag s2;
	_ =	strace s9  }
0x27: {  	s1 =	sld [smem:$0x3FAD]  }
0x28: {  	s2 =	sld [smem:$0x3FAE]  }
0x29: {  	s4 =	sld [smem:$0x3FB0]  }
0x2a: {  	p0 =	seq.s32 s5, $0x0;
	s5 =	sld [smem:$0x3FB1]  }
0x2b: {  	s6 =	sld [smem:$0x3FB2]  }
0x2c: {  	s7 =	sld [smem:$0x3FB3]  }
0x2d: {  	s3 =	simm.s32 $0x108;
	s8 =	sld [smem:$0x3FB4]  }
0x2e: {  	s3 =	simm.s32 @!p0 $0x1082;
	s9 =	sld [smem:$0x3FB5]  }
0x2f: {  	lr =	sadd.s32 s0, s3;
	s0 =	sld [smem:$0x3FAC]  }
0x30: {  	s3 =	sld [smem:$0x3FAF]  }
0x31: {  	[smem:$0x3FB8] =	sst s10  }
0x32: {  	s10 =	sld [smem:$0x3FB6];
	_ =	sdelay $0x3  }
0x33: {  	p0 =	seq.s32 s10, $0x1;
	s10 =	sld [smem:$0x3FB8];
	_ =	sdelay $0x3  }
0x34: {  	[smem:$0x3FB8] =	sst s10  }
0x35: {  	s10 =	sld [smem:$0x3FB7];
	_ =	sdelay $0x3  }
0x36: {  	p1 =	seq.s32 s10, $0x1;
	s10 =	sld [smem:$0x3FB8];
	_ =	sdelay $0x3  }
0x37: {  	[smem:$0x3FB8] =	sst s10  }
0x38: {  	s10 =	sld [smem:$0x3FB9]  }
0x39: {  	_ = 	snop;
	(pc) =	sbr.ind lr, $3  }
0x3a: {  	_ = 	snop  }
0x3b: {  	_ = 	snop  }
0x3c: {  	p2 =	seq.s32 s10, $0x1;
	s10 =	sld [smem:$0x3FB8]  }
0x3d: {  	_ =	shalt  }
0x3e: {  	_ =	shalt  }
0x3f: {  	_ =	shalt  }
0x40: {  	_ =	shalt  }
0x41: {  	_ =	shalt  }
0x42: {  	_ =	shalt  }
0x43: {  	_ =	shalt  }
0x44: {  	_ =	shalt  }
0x45: {  	_ =	shalt  }
0x46: {  	_ =	shalt  }
0x47: {  	_ =	shalt  }
0x48: {  	_ =	shalt  }
0x49: {  	_ =	shalt  }
0x4a: {  	_ =	shalt  }
0x4b: {  	_ =	shalt  }
0x4c: {  	_ =	shalt  }
0x4d: {  	_ =	shalt  }
0x4e: {  	_ =	shalt  }
0x4f: {  	_ =	shalt  }
0x50: {  	_ =	shalt  }
0x51: {  	_ =	shalt  }
0x52: {  	_ =	shalt  }
0x53: {  	_ =	shalt  }
0x54: {  	_ =	shalt  }
0x55: {  	_ =	shalt  }
0x56: {  	_ =	shalt  }
0x57: {  	_ =	shalt  }
0x58: {  	_ =	shalt  }
0x59: {  	_ =	shalt  }
0x5a: {  	_ =	shalt  }
0x5b: {  	_ =	shalt  }
0x5c: {  	_ =	shalt  }
0x5d: {  	_ =	shalt  }
0x5e: {  	_ =	shalt  }
0x5f: {  	_ =	shalt  }
0x60: {  	_ =	shalt  }
0x61: {  	_ =	shalt  }
0x62: {  	_ =	shalt  }
0x63: {  	_ =	shalt  }
0x64: {  	_ =	shalt  }
0x65: {  	_ =	shalt  }
0x66: {  	_ =	shalt  }
0x67: {  	_ =	shalt  }
0x68: {  	_ =	shalt  }
0x69: {  	_ =	shalt  }
0x6a: {  	_ =	shalt  }
0x6b: {  	_ =	shalt  }
0x6c: {  	_ =	shalt  }
0x6d: {  	_ =	shalt  }
0x6e: {  	_ =	shalt  }
0x6f: {  	_ =	shalt  }
0x70: {  	_ =	shalt  }
0x71: {  	_ =	shalt  }
0x72: {  	_ =	shalt  }
0x73: {  	_ =	shalt  }
0x74: {  	_ =	shalt  }
0x75: {  	_ =	shalt  }
0x76: {  	_ =	shalt  }
0x77: {  	_ =	shalt  }
0x78: {  	_ =	shalt  }
0x79: {  	_ =	shalt  }
0x7a: {  	_ =	shalt  }
0x7b: {  	_ =	shalt  }
0x7c: {  	_ =	shalt  }
0x7d: {  	_ =	shalt  }
0x7e: {  	_ =	shalt  }
0x7f: {  	_ =	shalt  }
0x80: {  	_ =	shalt  }
0x81: {  	_ =	shalt  }
0x82: {  	_ =	shalt  }
0x83: {  	_ =	shalt  }
0x84: {  	_ =	shalt  }
0x85: {  	_ =	shalt  }
0x86: {  	_ =	shalt  }
0x87: {  	_ =	shalt  }
.Lfunc_end0:
.L_simem_size_0:
called_computation_lowered:
.L_overlay_start_0:
0x88: {  	s2 =	sld [smem:$0x3FD9]  }
0x89: {  	s3 =	sld [smem:$0x3FFE];
	_ =	sdelay $0x1  }
0x8a: {  	s1 =	srdreg.scid  }
0x8b: {  	s0 =	sand.u32 $0x1, s1  }
0x8c: {  	s14 =	sshll.u32 s0, $0xA;
	s2 =	sadd.s32 s3, s2  }
0x8d: {  	s2 =	sadd.s32 s2, s14  }
0x8e: {  	[smem:$0x3FC4] =	sst s2  }
0x8f: {  	_ = 	snop  }
0x90: {  	s2 =	sld [smem:$0x3FD0];
	_ =	sdelay $0x2  }
0x91: {  	s15 =	simm.s32 $0xB;
	s4 =	simm.s32 $0x10  }
0x92: {  	[smem:s4], [sflag:s15] =	dma.local [hbm:s2], $0x1  }
0x93: {  	_ =	swait.eq [sflag:s15], $0x1  }
0x94: {  	[sflag:s15] =	ssyncset.done $0x0  }
0x95: {  	s16 =	sld [smem:$0x11];
	[sflag:s15] =	ssyncadd.s32 $0xFFFFFFFF  }
0x96: {  	s17 =	sld [smem:$0x12];
	(tm) =	ssettm $0x1  }
0x97: {  	s18 =	sld [smem:$0x3FFB];
	_ =	sdelay $0x3  }
0x98: {  	_ =	strace s18  }
0x99: {  	s4 =	sld [smem:$0x3FFC];
	_ =	sdelay $0x3  }
0x9a: {  	_ =	strace s4  }
0x9b: {  	s4 =	sld [smem:$0x3FFD];
	_ =	sdelay $0x3  }
0x9c: {  	_ =	strace s4  }
0x9d: {  	_ =	strace $0x8FFFFFFF  }
0x9e: {  	s19 =	sld [smem:$0x3FDB];
	_ =	sdelay $0x1  }
0x9f: {  	s5 =	simm.s32 $_scs_section_size  }
0xa0: {  	s6 =	simm.s32 $_size__tile_overlayer_lowered;
	s7 =	simm.s32 $_tile_overlayer_lowered  }
0xa1: {  	s22 =	simm.s32 $0x1BFF;
	s21 =	sshll.u32 s7, $0x1;
	s4 =	sadd.s32 s5, s19  }
0xa2: {  	s8 =	simm.s32 $0x0;
	s20 =	sshll.u32 s6, $0x1;
	s6 =	sadd.s32 s21, s4  }
0xa3: {  	[timem:s8], [sflag:s22] =	dma.local [hbm:s6], s20  }
0xa4: {  	_ =	swait.ge [sflag:s22], s20  }
0xa5: {  	s5 =	ssub.s32 $0x0, s20;
	[sflag:s22] =	ssyncset.done $0x0  }
0xa6: {  	[sflag:s22] =	ssyncadd.s32 s5;
	_ =	sdelay $0x1  }
0xa7: {  	s23 =	simm.s32 $0x1B8B  }
0xa8: {  	_ =	swait.ge [sflag:s23], $0x1  }
0xa9: {  	[sflag:s23] =	ssyncset.done $0x0  }
0xaa: {  	s25 =	simm.s32 $0x1B8E;
	s24 =	sld [smem:$0x3FFE];
	[sflag:s23] =	ssyncadd.s32 $0xFFFFFFFF  }
0xab: {  	s26 =	simm.s32 $execute0_lowered;
	[smem:$0x3FD2] =	sst s25  }
0xac: {  	s6 =	sshll.u32 s26, $0x1;
	_ =	strace $0x80000046;
	[dreg:$0x1] =	wrdreg $0xFFFFFFFF  }
0xad: {  	s28 =	simm.s32 $_size_execute0_lowered;
	s4 =	sadd.s32 s4, s6;
	[dreg:$0x0] =	wrdreg $0x0  }
0xae: {  	s6 =	sshll.u32 s28, $0x1;
	[dreg:$0x2] =	wrdreg s4  }
0xaf: {  	[dreg:$0x3] =	wrdreg s6  }
0xb0: {  	[dreg:$0x4] =	wrdreg $0xC0  }
0xb1: {  	_ =	task [dreg:s8], $0x5FFFF  }
0xb2: {  	[dreg:$0x1] =	wrdreg $0xFFFFFFFF  }
0xb3: {  	[dreg:$0x0] =	wrdreg $0x60  }
0xb4: {  	[dreg:$0x2] =	wrdreg s17  }
0xb5: {  	[dreg:$0x3] =	wrdreg s24  }
0xb6: {  	[dreg:$0x4] =	wrdreg s16  }
0xb7: {  	[dreg:$0x5] =	wrdreg $0x9  }
0xb8: {  	_ =	task.clear_ibuf [dreg:s8], $0x6FFFF;
	_ =	strace $0x90000046  }
0xb9: {  	s29 =	simm.s32 $0x9;
	_ =	strace $0x80000048  }
0xba: {  	_ =	swait.ge [sflag:s29], $0x1  }
0xbb: {  	[sflag:s29] =	ssyncadd.s32 $0xFFFFFFFF  }
0xbc: {  	_ =	strace $0x90000048  }
0xbd: {  	_ =	sfence  }
0xbe: {  	s30 =	sld [smem:$0x0];
	_ =	sdelay $0x2  }
0xbf: {  	s31 =	sshll.u32 s1, $0xD;
	s1 =	sshrl.u32 s1, $0x2  }
0xc0: {  	s3 =	sand.u32 $0x4000, s31;
	s1 =	sadd.s32 s1, s30  }
0xc1: {  	s0 =	sor.u32 s3, s0;
	s1 =	sshll.u32 s1, $0x11  }
0xc2: {  	s0 =	sor.u32 s1, s0  }
0xc3: {  	s0 =	sadd.s32 $0x8F2B, s0  }
0xc4: {  	[sflag:s0] =	ssyncadd.remote.s32 $0x1  }
0xc5: {  	_ =	sfence.sel $0xFFFF  }
0xc6: {  	[dreg:$0x0] =	wrdreg $0xFFFFFFFF;
	(pc) =	sbr.abs _section_cstart, $3  }
0xc7: {  	[dreg:$0x1] =	wrdreg $0xFFFFFFFF  }
0xc8: {  	_ =	task.clear_ibuf [dreg:s8], $0x2FFFF;
	_ =	strace $0x9FFFFFFF  }
0xc9: {  	(tm) =	ssettm $0x7FFFFFFF  }
tec
execute0_lowered:
.L_overlay_start_1:
0x0: {  	(tag) =	ssettag $0x1  }
0x1: {  	s2 =	srdreg.scid  }
0x2: {  	s1 =	rddreg [dreg:$0x0];
	s0 =	stileid.u32;
	s10 =	sand.u32 $0x1, s2  }
0x3: {  	s4 =	rddreg [dreg:$0x1];
	s30 =	sshll.u32 s0, $0x9;
	s3 =	sshll.u32 s10, $0x8  }
0x4: {  	s11 =	rddreg [dreg:$0x2];
	s12 =	sor.u32 s3, s30  }
0x5: {  	s2 =	rddreg [dreg:$0x3];
	s3 =	simm.s32 $0x0;
	s5 =	sshrl.u32 s12, $0x3  }
0x6: {  	[smem:$0x7FF] =	sst s3;
	s9 =	sadd.s32 s5, s4  }
0x7: {  	_ =	strace $0x80000047;
	s4 =	simm.s32 $0x2;
	s5 =	sadd.s32 $0x800, s9  }
0x8: {  	[tilespmem:s3], [sflag:$0x2] =	stream.linear.gather [hbm4b:s5+s3], $0x80, $0x38;
	[tilespmem:$0x2100] =	vst v63  }
0x9: {  	_ =	swait.ge [sflag:s4], $0x80  }
0xa: {  	s6 =	simm.s32 $0x80;
	[sflag:s4] =	ssyncset.done $0x0  }
0xb: {  	s7 =	simm.s32 $0x100;
	s8 =	simm.s32 $0x1;
	[sflag:s4] =	ssyncadd.s32 $0xFFFFFF80  }
0xc: {  	[tilespmem:s7], [sflag:$0x1] =	stream.indirect.gather [hbm4b:s1+s6], $0x20, s3, s6, $0xb8;
	[tilespmem:$0x2100] =	vst v63  }
0xd: {  	_ =	swait.ge [sflag:s8], $0x1000  }
0xe: {  	[sflag:s8] =	ssyncset.done $0x0  }
0xf: {  	s13 =	ssub.s32 $0x2, s10;
	s9 =	sadd.s32 $0x810, s9;
	[sflag:s8] =	ssyncadd.s32 $0xFFFFF000  }
0x10: {  	[tilespmem:s6], [sflag:$0x2] =	stream.linear.gather [hbm4b:s9+s3], $0x80, $0x38;
	[tilespmem:$0x2100] =	vst v63  }
0x11: {  	s14 =	sshrl.u32 s13, $0x1;
	_ =	swait.ge [sflag:s4], $0x80  }
0x12: {  	s13 =	ssub.s32 s13, s14;
	[sflag:s4] =	ssyncset.done $0x0  }
0x13: {  	s10 =	simm.s32 $0x1100;
	s31 =	smax.u32 s13, $0x1;
	[sflag:s4] =	ssyncadd.s32 $0xFFFFFF80  }
0x14: {  	[tilespmem:s10], [sflag:$0x1] =	stream.indirect.gather [hbm4b:s1+s6], $0x20, s6, s6, $0xb8;
	[tilespmem:$0x2100] =	vst v63  }
0x15: {  	p0 =	sne.s32 s31, $0x1;
	_ =	swait.ge [sflag:s8], $0x1000  }
.Ltmp0:
0x16: {  	s12 =	sshll.u32 s12, $0x2;
	[sflag:s8] =	ssyncset.done $0x0;
	(pc) =	sbr.rel @!p0 .LBB2_2-.Ltmp0, $4  }
0x17: {  	s11 =	sadd.s32 s11, s12;
	[sflag:s8] =	ssyncadd.s32 $0xFFFFF000  }
0x18: {  	[hbm4b:s11+s3] =	stream.linear.scatter [tilespmem:s7], [sflag:$0x2], $0x2000, $0x38;
	[tilespmem:$0x2100] =	vst v63  }
0x19: {  	_ =	swait.ge [sflag:s4], $0x2000  }
0x1a: {  	s12 =	sadd.s32 $0xFFFFFFFF, s31;
	[sflag:s4] =	ssyncset.done $0x0  }
.LBB2_1:
0x1b: {  	p0 =	sne.s32 s12, $0x1;
	s12 =	sadd.s32 $0xFFFFFFFF, s12;
	[sflag:s4] =	ssyncadd.s32 $0xFFFFE000  }
0x1c: {  	[tilespmem:s3], [sflag:$0x2] =	stream.linear.gather [hbm4b:s5+s3], $0x80, $0x38;
	[tilespmem:$0x2100] =	vst v63  }
0x1d: {  	_ =	swait.ge [sflag:s4], $0x80  }
0x1e: {  	[sflag:s4] =	ssyncset.done $0x0  }
0x1f: {  	[sflag:s4] =	ssyncadd.s32 $0xFFFFFF80  }
0x20: {  	[tilespmem:s7], [sflag:$0x1] =	stream.indirect.gather [hbm4b:s1+s6], $0x20, s3, s6, $0xb8;
	[tilespmem:$0x2100] =	vst v63  }
0x21: {  	_ =	swait.ge [sflag:s8], $0x1000  }
0x22: {  	[sflag:s8] =	ssyncset.done $0x0  }
0x23: {  	[sflag:s8] =	ssyncadd.s32 $0xFFFFF000  }
0x24: {  	[tilespmem:s6], [sflag:$0x2] =	stream.linear.gather [hbm4b:s9+s3], $0x80, $0x38;
	[tilespmem:$0x2100] =	vst v63  }
0x25: {  	_ =	swait.ge [sflag:s4], $0x80  }
0x26: {  	[sflag:s4] =	ssyncset.done $0x0  }
0x27: {  	[sflag:s4] =	ssyncadd.s32 $0xFFFFFF80  }
0x28: {  	[tilespmem:s10], [sflag:$0x1] =	stream.indirect.gather [hbm4b:s1+s6], $0x20, s6, s6, $0xb8;
	[tilespmem:$0x2100] =	vst v63  }
0x29: {  	_ =	swait.ge [sflag:s8], $0x1000  }
.Ltmp1:
0x2a: {  	[sflag:s8] =	ssyncset.done $0x0;
	(pc) =	sbr.rel @p0 .LBB2_1-.Ltmp1, $4  }
0x2b: {  	[sflag:s8] =	ssyncadd.s32 $0xFFFFF000  }
0x2c: {  	[hbm4b:s11+s3] =	stream.linear.scatter [tilespmem:s7], [sflag:$0x2], $0x2000, $0x38;
	[tilespmem:$0x2100] =	vst v63  }
0x2d: {  	_ =	swait.ge [sflag:s4], $0x2000  }
0x2e: {  	[sflag:s4] =	ssyncset.done $0x0  }
.LBB2_2:
0x2f: {  	[sflag:s4] =	ssyncadd.s32 $0xFFFFE000  }
0x30: {  	_ =	sfence.sel $0x180000  }
0x31: {  	[bflag:$0x0] =	sbarrier.arrive $0xFFFF  }
0x32: {  	p0 =	sne.s32 s0, $0x0;
	_ =	strace $0x90000047  }
0x33: {  	s0 =	sadd.s32 @!p0 $0x100000, s2;
	[bflag:$0x2] =	sbarrier.arrive $0xFFFF  }
0x34: {  	[sflag:s0] =	ssyncadd.tile.s32 @!p0 $0x1;
	_ =	shalt  }
.Lfunc_end2:
_tile_overlayer_lowered:
.L_overlay_start_2:
0x35: {  	(tag) =	ssettag $0x2  }
0x36: {  	s0 =	rddreg [dreg:$0x0];
	s2 =	stileid.u32  }
0x37: {  	s1 =	rddreg [dreg:$0x1];
	p0 =	sne.s32 s2, $0x0  }
0x38: {  	s3 =	rddreg [dreg:$0x2];
	[bflag:$0x3] =	sbarrier.arrive $0xFFFF;
	s2 =	simm.s32 @!p0 $0x1C02  }
0x39: {  	[timem:s3], [sflag:s2] =	dma.local @!p0 [hbm:s0], s1  }
0x3a: {  	s0 =	simm.s32 @!p0 $0x2  }
0x3b: {  	_ =	swait.ge @!p0 [sflag:s0], s1  }
0x3c: {  	s1 =	ssub.s32 @!p0 $0x0, s1;
	[sflag:s0] =	ssyncset.done @!p0 $0x0  }
0x3d: {  	[sflag:s0] =	ssyncadd.s32 @!p0 s1  }
0x3e: {  	[bflag:$0x3] =	sbarrier.arrive $0xFFFF  }
0x3f: {  	_ =	shalt  }

// kernel: kernel.9.cloned.1.call-start
scs
__scs_entry_jumppad:
0x0: {  	(pc) =	sbr.rel $0x88, $3  }
0x1: {  	(tag) =	ssettag $0x0;
	lr =	simm.s32 $0x1  }
0x2: {  	[smem:$0x3F9D] =	sst lr;
	_ =	strace $0xD0000000  }
0x3: {  	_ = 	snop  }
0x4: {  	_ = 	snop  }
0x5: {  	_ = 	snop  }
0x6: {  	_ = 	snop  }
0x7: {  	_ = 	snop  }
__scs_overlays_trampoline_lowered:
0x8: {  	[smem:$0x3FAC] =	sst s0  }
0x9: {  	[smem:$0x3FAD] =	sst s1  }
0xa: {  	[smem:$0x3FAE] =	sst s2  }
0xb: {  	[smem:$0x3FAF] =	sst s3  }
0xc: {  	[smem:$0x3FB0] =	sst s4  }
0xd: {  	[smem:$0x3FB1] =	sst s5  }
0xe: {  	[smem:$0x3FB2] =	sst s6  }
0xf: {  	[smem:$0x3FB3] =	sst s7  }
0x10: {  	[smem:$0x3FB4] =	sst s8  }
0x11: {  	[smem:$0x3FB5] =	sst s9;
	s0 =	simm.s32 @!p0 $0x0  }
0x12: {  	s1 =	sld [smem:$0x3F9B];
	s0 =	simm.s32 @p0 $0x1  }
0x13: {  	[smem:$0x3FB6] =	sst s0;
	s0 =	simm.s32 @!p1 $0x0  }
0x14: {  	s2 =	sld [smem:$0x3F9A];
	s0 =	simm.s32 @p1 $0x1  }
0x15: {  	[smem:$0x3FB7] =	sst s0;
	s0 =	simm.s32 @!p2 $0x0  }
0x16: {  	s3 =	sld [smem:$0x3FDB];
	s0 =	simm.s32 @p2 $0x1  }
0x17: {  	s4 =	simm.s32 $0x1BF5;
	[smem:$0x3FB9] =	sst s0  }
0x18: {  	s0 =	sld [smem:$0x3F9C];
	_ =	swait.ge [sflag:s4], $0x0  }
0x19: {  	s7 =	sld [smem:$0x3F9D]  }
0x1a: {  	s8 =	sadd.s32 $0xFFFFE003, lr  }
0x1b: {  	s9 =	sadd.s32 $0xFFFFFEF7, lr;
	s5 =	simm.s32 $0xFFFFFFFF;
	p2 =	slt.u32 s8, $0xFFFFF086  }
0x1c: {  	p1 =	slt.u32 s9, $0xF7A;
	s5 =	simm.s32 @!p2 $0x0  }
0x1d: {  	s5 =	simm.s32 @p1 $0x1;
	p0 =	seq.s32 s7, s2  }
0x1e: {  	s7 =	smul.u32 @!p0 $0xF7A, s2;
	p2 =	seq.s32 @!p0 s5, $0x0  }
0x1f: {  	s9 =	smul.u32 $0xF7A, s1;
	s8 =	simm.s32 @!p0 $0x1BF5;
	p2 =	por !p2, p0  }
0x20: {  	[sflag:s8] =	ssyncset.s32 @!p0 $0xFFFFF086;
	s6 =	sadd.s32 @!p0 s3, s7;
	s7 =	simm.s32 @!p0 $0x108  }
0x21: {  	s3 =	sadd.s32 s3, s9;
	s6 =	sadd.s32 @!p0 $0x88, s6;
	s7 =	simm.s32 @p2 $0x1082  }
0x22: {  	[simem:s7], [sflag:s8] =	dma.local @!p0 [hbm:s6], $0xF7A  }
0x23: {  	s9 =	sor.u32 $0xD0000000, s2;
	s6 =	simm.s32 $0x108;
	_ =	swait.ge @!p0 [sflag:s8], $0x0  }
0x24: {  	s3 =	sadd.s32 $0x88, s3;
	s6 =	simm.s32 @!p1 $0x1082;
	[sflag:s4] =	ssyncset.s32 $0xFFFFF086  }
0x25: {  	[simem:s6], [sflag:s4] =	dma.local [hbm:s3], $0xF7A  }
0x26: {  	[smem:$0x3F9D] =	sst s1;
	(tag) =	ssettag s2;
	_ =	strace s9  }
0x27: {  	s1 =	sld [smem:$0x3FAD]  }
0x28: {  	s2 =	sld [smem:$0x3FAE]  }
0x29: {  	s4 =	sld [smem:$0x3FB0]  }
0x2a: {  	p0 =	seq.s32 s5, $0x0;
	s5 =	sld [smem:$0x3FB1]  }
0x2b: {  	s6 =	sld [smem:$0x3FB2]  }
0x2c: {  	s7 =	sld [smem:$0x3FB3]  }
0x2d: {  	s3 =	simm.s32 $0x108;
	s8 =	sld [smem:$0x3FB4]  }
0x2e: {  	s3 =	simm.s32 @!p0 $0x1082;
	s9 =	sld [smem:$0x3FB5]  }
0x2f: {  	lr =	sadd.s32 s0, s3;
	s0 =	sld [smem:$0x3FAC]  }
0x30: {  	s3 =	sld [smem:$0x3FAF]  }
0x31: {  	[smem:$0x3FB8] =	sst s10  }
0x32: {  	s10 =	sld [smem:$0x3FB6];
	_ =	sdelay $0x3  }
0x33: {  	p0 =	seq.s32 s10, $0x1;
	s10 =	sld [smem:$0x3FB8];
	_ =	sdelay $0x3  }
0x34: {  	[smem:$0x3FB8] =	sst s10  }
0x35: {  	s10 =	sld [smem:$0x3FB7];
	_ =	sdelay $0x3  }
0x36: {  	p1 =	seq.s32 s10, $0x1;
	s10 =	sld [smem:$0x3FB8];
	_ =	sdelay $0x3  }
0x37: {  	[smem:$0x3FB8] =	sst s10  }
0x38: {  	s10 =	sld [smem:$0x3FB9]  }
0x39: {  	_ = 	snop;
	(pc) =	sbr.ind lr, $3  }
0x3a: {  	_ = 	snop  }
0x3b: {  	_ = 	snop  }
0x3c: {  	p2 =	seq.s32 s10, $0x1;
	s10 =	sld [smem:$0x3FB8]  }
0x3d: {  	_ =	shalt  }
0x3e: {  	_ =	shalt  }
0x3f: {  	_ =	shalt  }
0x40: {  	_ =	shalt  }
0x41: {  	_ =	shalt  }
0x42: {  	_ =	shalt  }
0x43: {  	_ =	shalt  }
0x44: {  	_ =	shalt  }
0x45: {  	_ =	shalt  }
0x46: {  	_ =	shalt  }
0x47: {  	_ =	shalt  }
0x48: {  	_ =	shalt  }
0x49: {  	_ =	shalt  }
0x4a: {  	_ =	shalt  }
0x4b: {  	_ =	shalt  }
0x4c: {  	_ =	shalt  }
0x4d: {  	_ =	shalt  }
0x4e: {  	_ =	shalt  }
0x4f: {  	_ =	shalt  }
0x50: {  	_ =	shalt  }
0x51: {  	_ =	shalt  }
0x52: {  	_ =	shalt  }
0x53: {  	_ =	shalt  }
0x54: {  	_ =	shalt  }
0x55: {  	_ =	shalt  }
0x56: {  	_ =	shalt  }
0x57: {  	_ =	shalt  }
0x58: {  	_ =	shalt  }
0x59: {  	_ =	shalt  }
0x5a: {  	_ =	shalt  }
0x5b: {  	_ =	shalt  }
0x5c: {  	_ =	shalt  }
0x5d: {  	_ =	shalt  }
0x5e: {  	_ =	shalt  }
0x5f: {  	_ =	shalt  }
0x60: {  	_ =	shalt  }
0x61: {  	_ =	shalt  }
0x62: {  	_ =	shalt  }
0x63: {  	_ =	shalt  }
0x64: {  	_ =	shalt  }
0x65: {  	_ =	shalt  }
0x66: {  	_ =	shalt  }
0x67: {  	_ =	shalt  }
0x68: {  	_ =	shalt  }
0x69: {  	_ =	shalt  }
0x6a: {  	_ =	shalt  }
0x6b: {  	_ =	shalt  }
0x6c: {  	_ =	shalt  }
0x6d: {  	_ =	shalt  }
0x6e: {  	_ =	shalt  }
0x6f: {  	_ =	shalt  }
0x70: {  	_ =	shalt  }
0x71: {  	_ =	shalt  }
0x72: {  	_ =	shalt  }
0x73: {  	_ =	shalt  }
0x74: {  	_ =	shalt  }
0x75: {  	_ =	shalt  }
0x76: {  	_ =	shalt  }
0x77: {  	_ =	shalt  }
0x78: {  	_ =	shalt  }
0x79: {  	_ =	shalt  }
0x7a: {  	_ =	shalt  }
0x7b: {  	_ =	shalt  }
0x7c: {  	_ =	shalt  }
0x7d: {  	_ =	shalt  }
0x7e: {  	_ =	shalt  }
0x7f: {  	_ =	shalt  }
0x80: {  	_ =	shalt  }
0x81: {  	_ =	shalt  }
0x82: {  	_ =	shalt  }
0x83: {  	_ =	shalt  }
0x84: {  	_ =	shalt  }
0x85: {  	_ =	shalt  }
0x86: {  	_ =	shalt  }
0x87: {  	_ =	shalt  }
.Lfunc_end0:
.L_simem_size_0:
called_computation.1_lowered:
.L_overlay_start_0:
0x88: {  	s2 =	sld [smem:$0x3FD9]  }
0x89: {  	s3 =	sld [smem:$0x3FFE];
	_ =	sdelay $0x1  }
0x8a: {  	s1 =	srdreg.scid  }
0x8b: {  	s0 =	sand.u32 $0x1, s1  }
0x8c: {  	s17 =	sshll.u32 s0, $0xA;
	s2 =	sadd.s32 s3, s2  }
0x8d: {  	s2 =	sadd.s32 s2, s17  }
0x8e: {  	[smem:$0x3FC4] =	sst s2  }
0x8f: {  	_ = 	snop  }
0x90: {  	(tm) =	ssettm $0x1  }
0x91: {  	s18 =	sld [smem:$0x3FFB];
	_ =	sdelay $0x3  }
0x92: {  	_ =	strace s18  }
0x93: {  	s2 =	sld [smem:$0x3FFC];
	_ =	sdelay $0x3  }
0x94: {  	_ =	strace s2  }
0x95: {  	s2 =	sld [smem:$0x3FFD];
	_ =	sdelay $0x3  }
0x96: {  	_ =	strace s2  }
0x97: {  	_ =	strace $0x8FFFFFFF  }
0x98: {  	s19 =	sld [smem:$0x3FDB];
	_ =	sdelay $0x1  }
0x99: {  	s20 =	simm.s32 $_scs_section_size  }
0x9a: {  	s4 =	simm.s32 $_size__tile_overlayer_lowered;
	s5 =	simm.s32 $_tile_overlayer_lowered  }
0x9b: {  	s6 =	simm.s32 $0x1BFF;
	s21 =	sshll.u32 s5, $0x1;
	s3 =	sadd.s32 s20, s19  }
0x9c: {  	s22 =	simm.s32 $0x0;
	s4 =	sshll.u32 s4, $0x1;
	s5 =	sadd.s32 s21, s3  }
0x9d: {  	[timem:s22], [sflag:s6] =	dma.local [hbm:s5], s4  }
0x9e: {  	_ =	swait.ge [sflag:s6], s4  }
0x9f: {  	s4 =	ssub.s32 $0x0, s4;
	[sflag:s6] =	ssyncset.done $0x0  }
0xa0: {  	[sflag:s6] =	ssyncadd.s32 s4;
	_ =	sdelay $0x1  }
0xa1: {  	s23 =	simm.s32 $0x1B8B  }
0xa2: {  	_ =	swait.ge [sflag:s23], $0x1  }
0xa3: {  	[sflag:s23] =	ssyncset.done $0x0  }
0xa4: {  	[sflag:s23] =	ssyncadd.s32 $0xFFFFFFFF  }
0xa5: {  	s4 =	sld [smem:$0x0]  }
0xa6: {  	s5 =	sand.u32 $0xFFFFFFFE, s1  }
0xa7: {  	p0 =	sne.s32 s1, s5  }
0xa8: {  	s5 =	sshll.u32 @p0 s5, $0xE  }
0xa9: {  	s5 =	sadd.s32 @p0 $0x11B8D, s5;
	s6 =	sshll.u32 @p0 s4, $0x11  }
0xaa: {  	s5 =	sor.u32 @p0 s6, s5  }
0xab: {  	[sflag:s5] =	ssyncadd.remote.s32 @p0 $0x1;
	_ =	sdelay $0x1  }
0xac: {  	s5 =	simm.s32 @p0 $0x1B8D  }
0xad: {  	_ =	swait.eq @p0 [sflag:s5], $0x1  }
0xae: {  	[sflag:s5] =	ssyncadd.s32 @p0 $0xFFFFFFFF  }
0xaf: {  	s6 =	sshll.u32 @!p0 s1, $0xE  }
0xb0: {  	s6 =	sor.u32 @!p0 $0x4000, s6;
	s5 =	simm.s32 @!p0 $0x1B8D  }
0xb1: {  	s4 =	sshll.u32 @!p0 s4, $0x11;
	s6 =	sadd.s32 @!p0 $0x11B8D, s6;
	_ =	swait.eq @!p0 [sflag:s5], $0x1  }
0xb2: {  	s4 =	sor.u32 @!p0 s4, s6;
	[sflag:s5] =	ssyncadd.s32 @!p0 $0xFFFFFFFF  }
0xb3: {  	s25 =	simm.s32 $0x1B8E;
	s24 =	sld [smem:$0x3FFE];
	[sflag:s4] =	ssyncadd.remote.s32 @!p0 $0x1  }
0xb4: {  	s26 =	simm.s32 $execute0_lowered;
	[smem:$0x3FD2] =	sst s25  }
0xb5: {  	s5 =	sshll.u32 s26, $0x1;
	_ =	strace $0x80000049;
	[dreg:$0x1] =	wrdreg $0xFFFFFFFF  }
0xb6: {  	s28 =	simm.s32 $_size_execute0_lowered;
	s3 =	sadd.s32 s3, s5;
	[dreg:$0x0] =	wrdreg $0x0  }
0xb7: {  	s5 =	sshll.u32 s28, $0x1;
	[dreg:$0x2] =	wrdreg s3  }
0xb8: {  	[dreg:$0x3] =	wrdreg s5  }
0xb9: {  	[dreg:$0x4] =	wrdreg $0xC0  }
0xba: {  	_ =	task [dreg:s22], $0x5FFFF  }
0xbb: {  	[dreg:$0x1] =	wrdreg $0xFFFFFFFF  }
0xbc: {  	[dreg:$0x0] =	wrdreg $0x60  }
0xbd: {  	[dreg:$0x2] =	wrdreg s24  }
0xbe: {  	[dreg:$0x3] =	wrdreg $0xA  }
0xbf: {  	_ =	task.clear_ibuf [dreg:s22], $0x4FFFF;
	_ =	strace $0x90000049  }
0xc0: {  	s29 =	simm.s32 $0xA;
	_ =	strace $0x8000004B  }
0xc1: {  	_ =	swait.ge [sflag:s29], $0x1  }
0xc2: {  	[sflag:s29] =	ssyncadd.s32 $0xFFFFFFFF  }
0xc3: {  	_ =	strace $0x9000004B  }
0xc4: {  	_ =	sfence  }
0xc5: {  	s30 =	sld [smem:$0x0];
	_ =	sdelay $0x2  }
0xc6: {  	s31 =	sshll.u32 s1, $0xD;
	s1 =	sshrl.u32 s1, $0x2  }
0xc7: {  	s4 =	sand.u32 $0x4000, s31;
	s1 =	sadd.s32 s1, s30  }
0xc8: {  	s0 =	sor.u32 s4, s0;
	s1 =	sshll.u32 s1, $0x11  }
0xc9: {  	s0 =	sor.u32 s1, s0  }
0xca: {  	s0 =	sadd.s32 $0x8F2B, s0  }
0xcb: {  	[sflag:s0] =	ssyncadd.remote.s32 $0x1  }
0xcc: {  	_ =	sfence.sel $0xFFFF  }
0xcd: {  	[dreg:$0x0] =	wrdreg $0xFFFFFFFF;
	(pc) =	sbr.abs _section_cstart, $3  }
0xce: {  	[dreg:$0x1] =	wrdreg $0xFFFFFFFF  }
0xcf: {  	_ =	task.clear_ibuf [dreg:s22], $0x2FFFF;
	_ =	strace $0x9FFFFFFF  }
0xd0: {  	(tm) =	ssettm $0x7FFFFFFF  }
0xd1: {  	_ =	shalt  }
tec
execute0_lowered:
.L_overlay_start_1:
0x0: {  	(tag) =	ssettag $0x1  }
0x1: {  	s1 =	srdreg.scid  }
0x2: {  	s0 =	stileid.u32;
	s6 =	sand.u32 $0x1, s1  }
0x3: {  	s8 =	rddreg [dreg:$0x0];
	s30 =	sshll.u32 s0, $0x7;
	s2 =	sshll.u32 s6, $0x6  }
0x4: {  	s7 =	simm.s32 $0x1;
	s1 =	rddreg [dreg:$0x1];
	s9 =	sor.u32 s2, s30  }
0x5: {  	s5 =	sadd.s32 $0xC00, s8;
	s2 =	simm.s32 $0x0;
	s3 =	sshrl.u32 s9, $0x3  }
0x6: {  	s10 =	ssub.s32 $0x2, s6;
	[smem:$0x7FF] =	sst s2;
	s3 =	sadd.s32 s3, s8  }
0x7: {  	_ =	strace $0x8000004A;
	s4 =	sadd.s32 $0x10E00, s3;
	s3 =	simm.s32 $0x2  }
0x8: {  	[tilespmem:s2], [sflag:$0x2] =	stream.linear.gather [hbm4b:s4+s2], $0x40, $0x38;
	[tilespmem:$0x1040] =	vst v63  }
0x9: {  	s6 =	simm.s32 $0x40;
	s11 =	sshrl.u32 s10, $0x1;
	_ =	swait.ge [sflag:s3], $0x40  }
0xa: {  	s9 =	sshll.u32 s9, $0x3;
	s31 =	ssub.s32 s10, s11;
	[sflag:s3] =	ssyncset.done $0x0  }
0xb: {  	s8 =	sadd.s32 s9, s8;
	s9 =	smax.u32 s31, $0x1;
	[sflag:s3] =	ssyncadd.s32 $0xFFFFFFC0  }
0xc: {  	[tilespmem:s6], [sflag:$0x1] =	stream.indirect.gather [hbm4b:s5+s6], $0x40, s2, s6, $0xb8;
	[tilespmem:$0x1040] =	vst v63  }
0xd: {  	p0 =	sne.s32 s9, $0x1;
	_ =	swait.ge [sflag:s7], $0x1000  }
.Ltmp0:
0xe: {  	[sflag:s7] =	ssyncset.done $0x0;
	(pc) =	sbr.rel @!p0 .LBB2_2-.Ltmp0, $4  }
0xf: {  	s8 =	sadd.s32 $0x11000, s8;
	[sflag:s7] =	ssyncadd.s32 $0xFFFFF000  }
0x10: {  	[hbm4b:s8+s2] =	stream.linear.scatter [tilespmem:s6], [sflag:$0x2], $0x1000, $0x38;
	[tilespmem:$0x1040] =	vst v63  }
0x11: {  	_ =	swait.ge [sflag:s3], $0x1000  }
0x12: {  	s9 =	sadd.s32 $0xFFFFFFFF, s9;
	[sflag:s3] =	ssyncset.done $0x0  }
.LBB2_1:
0x13: {  	p0 =	sne.s32 s9, $0x1;
	s9 =	sadd.s32 $0xFFFFFFFF, s9;
	[sflag:s3] =	ssyncadd.s32 $0xFFFFF000  }
0x14: {  	[tilespmem:s2], [sflag:$0x2] =	stream.linear.gather [hbm4b:s4+s2], $0x40, $0x38;
	[tilespmem:$0x1040] =	vst v63  }
0x15: {  	_ =	swait.ge [sflag:s3], $0x40  }
0x16: {  	[sflag:s3] =	ssyncset.done $0x0  }
0x17: {  	[sflag:s3] =	ssyncadd.s32 $0xFFFFFFC0  }
0x18: {  	[tilespmem:s6], [sflag:$0x1] =	stream.indirect.gather [hbm4b:s5+s6], $0x40, s2, s6, $0xb8;
	[tilespmem:$0x1040] =	vst v63  }
0x19: {  	_ =	swait.ge [sflag:s7], $0x1000  }
.Ltmp1:
0x1a: {  	[sflag:s7] =	ssyncset.done $0x0;
	(pc) =	sbr.rel @p0 .LBB2_1-.Ltmp1, $4  }
0x1b: {  	[sflag:s7] =	ssyncadd.s32 $0xFFFFF000  }
0x1c: {  	[hbm4b:s8+s2] =	stream.linear.scatter [tilespmem:s6], [sflag:$0x2], $0x1000, $0x38;
	[tilespmem:$0x1040] =	vst v63  }
0x1d: {  	_ =	swait.ge [sflag:s3], $0x1000  }
0x1e: {  	[sflag:s3] =	ssyncset.done $0x0  }
.LBB2_2:
0x1f: {  	[sflag:s3] =	ssyncadd.s32 $0xFFFFF000  }
0x20: {  	_ =	sfence.sel $0x180000  }
0x21: {  	[bflag:$0x0] =	sbarrier.arrive $0xFFFF  }
0x22: {  	p0 =	sne.s32 s0, $0x0;
	_ =	strace $0x9000004A  }
0x23: {  	s0 =	sadd.s32 @!p0 $0x100000, s1;
	[bflag:$0x2] =	sbarrier.arrive $0xFFFF  }
0x24: {  	[sflag:s0] =	ssyncadd.tile.s32 @!p0 $0x1;
	_ =	shalt  }
.Lfunc_end2:
_tile_overlayer_lowered:
.L_overlay_start_2:
0x25: {  	(tag) =	ssettag $0x2  }
0x26: {  	s0 =	rddreg [dreg:$0x0];
	s2 =	stileid.u32  }
0x27: {  	s1 =	rddreg [dreg:$0x1];
	p0 =	sne.s32 s2, $0x0  }
0x28: {  	s3 =	rddreg [dreg:$0x2];
	[bflag:$0x3] =	sbarrier.arrive $0xFFFF;
	s2 =	simm.s32 @!p0 $0x1C02  }
0x29: {  	[timem:s3], [sflag:s2] =	dma.local @!p0 [hbm:s0], s1  }
0x2a: {  	s0 =	simm.s32 @!p0 $0x2  }
0x2b: {  	_ =	swait.ge @!p0 [sflag:s0], s1  }
0x2c: {  	s1 =	ssub.s32 @!p0 $0x0, s1;
	[sflag:s0] =	ssyncset.done @!p0 $0x0  }
0x2d: {  	[sflag:s0] =	ssyncadd.s32 @!p0 s1  }
0x2e: {  	[bflag:$0x3] =	sbarrier.arrive $0xFFFF  }
0x2f: {  	_ =	shalt  }

</sc_bundles>
